<compile_context>
chip_gen: v7x
topology: tpu7x:2x2x1
jax: 0.10.2.dev20260603
libtpu: 0.0.44.dev20260713+nightly
codegen_flags: <defaults>
</compile_context>

<pallas_src>
import functools

import jax
import jax.numpy as jnp
from jax import lax
from jax.experimental import pallas as pl
from jax.experimental.pallas import tpu as pltpu
from jax.experimental.pallas import tpu_sc as plsc

N = 50000
K = 16
E = N * K
TN = 400
RT = TN * K
G = N // TN

_NC = 2
_NS = 16
_NW = _NC * _NS
_CH = 1000

_HI = jax.lax.Precision.HIGHEST
_LO = jax.lax.Precision.DEFAULT



def _sc_gather(table, idx):
    e = idx.shape[0]
    d = table.shape[1]
    bpw = e // _NW
    nch = bpw // _CH
    mesh = plsc.VectorSubcoreMesh(core_axis_name="c", subcore_axis_name="s")

    @functools.partial(
        pl.kernel,
        mesh=mesh,
        out_type=jax.ShapeDtypeStruct((e, d), jnp.float32),
        compiler_params=pltpu.CompilerParams(use_tc_tiling_on_sc=False),
        scratch_types=[
            pltpu.VMEM((_CH,), jnp.int32),
            pltpu.VMEM((_CH, d), jnp.float32),
            pltpu.SemaphoreType.DMA,
        ],
    )
    def k(table_hbm, idx_hbm, out_hbm, idx_v, rows_v, sem):
        wid = lax.axis_index("s") * _NC + lax.axis_index("c")
        base = wid * bpw

        def body(c, carry):
            off = base + c * _CH
            pltpu.sync_copy(idx_hbm.at[pl.ds(off, _CH)], idx_v)
            pltpu.async_copy(table_hbm.at[idx_v], rows_v, sem).wait()
            pltpu.sync_copy(rows_v, out_hbm.at[pl.ds(off, _CH)])
            return carry

        lax.fori_loop(0, nch, body, 0)

    return k(table, idx)



def _stats_accum(ref, vals):
    s = jnp.sum(vals, axis=0, keepdims=True)
    q = jnp.sum(vals * vals, axis=0, keepdims=True)
    part = jnp.broadcast_to(jnp.concatenate([s, q], axis=1), ref.shape)
    i = pl.program_id(0)

    @pl.when(i == 0)
    def _():
        ref[...] = part

    @pl.when(i > 0)
    def _():
        ref[...] = ref[...] + part


def _fold_affine(stats, g, be, cnt):
    c = g.shape[1]
    s, q = stats[0:1, :c], stats[0:1, c:2 * c]
    m = s / cnt
    v = q / cnt - m * m
    sc = g / jnp.sqrt(v + 1e-5)
    return sc, be - m * sc


def _tc1_body(gath_ref, xyz_ref, wa_ref, wb_ref, wd_ref, b1_ref, y1_ref,
              stats_ref):
    xj = gath_ref[...][:, 0:3]
    xi = jnp.broadcast_to(xyz_ref[...][:, None, :], (TN, K, 3)).reshape(RT, 3)
    rel = xi - xj
    dis = jnp.sqrt(jnp.sum(rel * rel, axis=1, keepdims=True))
    pa = jnp.dot(xyz_ref[...], wa_ref[...], precision=_LO)
    pab = jnp.broadcast_to(pa[:, None, :], (TN, K, 16)).reshape(RT, 16)
    y1 = (pab + jnp.dot(xj, wb_ref[...], precision=_LO)
          + dis * wd_ref[0:1, :] + b1_ref[0:1, :])
    y1_ref[...] = y1
    _stats_accum(stats_ref, y1)


def _softmax_pool(f_cat, att):
    a3 = att.reshape(TN, K, att.shape[1])
    f3 = f_cat.reshape(TN, K, f_cat.shape[1])
    m = jnp.max(a3, axis=1, keepdims=True)
    ex = jnp.exp(a3 - m)
    sm = jnp.sum(ex, axis=1, keepdims=True)
    return jnp.sum(f3 * (ex / sm), axis=1)


def _tc2_body(y1_ref, gath_ref, stats1_ref, bn1_ref, awc_ref, abc_ref,
              mw1t_ref, mb1_ref, ym1_ref, y2_ref, stats_m1_ref, stats_y2_ref):
    sc1, sh1 = _fold_affine(stats1_ref[...], bn1_ref[0:1, :], bn1_ref[1:2, :], E)
    f_xyz = jnp.maximum(y1_ref[...] * sc1 + sh1, 0.0)
    f_cat = jnp.concatenate([gath_ref[...][:, 16:32], f_xyz], axis=1)
    av = jnp.dot(f_cat, awc_ref[...], precision=_LO) + abc_ref[0:1, :]
    att = av[:, 0:32]
    y2 = av[:, 32:48]
    agg = _softmax_pool(f_cat, att)
    y_m1 = jnp.dot(agg, mw1t_ref[...], precision=_LO) + mb1_ref[0:1, :]
    ym1_ref[...] = y_m1
    y2_ref[...] = y2
    _stats_accum(stats_m1_ref, y_m1)
    _stats_accum(stats_y2_ref, y2)


def _tc3_body(y2_ref, gath2_ref, stats_y2_ref, bn2_ref, stats_m1_ref,
              bnm1_ref, aw2t_ref, ab2_ref, mw2t_ref, mb2_ref,
              ym2_ref, stats_m2_ref):
    sc2, sh2 = _fold_affine(stats_y2_ref[...], bn2_ref[0:1, :], bn2_ref[1:2, :], E)
    scm, shm = _fold_affine(stats_m1_ref[...], bnm1_ref[0:1, :], bnm1_ref[1:2, :], N)
    f_xyz2 = jnp.maximum(y2_ref[...] * sc2 + sh2, 0.0)
    f_nb2 = jnp.maximum(gath2_ref[...] * scm + shm, 0.0)
    f_cat2 = jnp.concatenate([f_nb2, f_xyz2], axis=1)
    att2 = jnp.dot(f_cat2, aw2t_ref[...], precision=_LO) + ab2_ref[0:1, :]
    agg2 = _softmax_pool(f_cat2, att2)
    y_m2 = jnp.dot(agg2, mw2t_ref[...], precision=_LO) + mb2_ref[0:1, :]
    ym2_ref[...] = y_m2
    _stats_accum(stats_m2_ref, y_m2)


def _tc4_body(ym2_ref, stats_m2_ref, bnm2_ref, out_ref):
    scm2, shm2 = _fold_affine(
        stats_m2_ref[...], bnm2_ref[0:1, :], bnm2_ref[1:2, :], N)
    y = jnp.maximum(ym2_ref[...] * scm2 + shm2, 0.0)
    out_ref[...] = y.T


def _full(shape):
    return pl.BlockSpec(shape, lambda i: (0, 0))


def kernel(xyz, feature, neigh_idx, W1, b1, g1, be1, aW1, ab1, mW1, mb1,
           mg1, mbe1, W2, b2, g2, be2, aW2, ab2, mW2, mb2, mg2, mbe2):
    f32 = jnp.float32
    P = xyz[0].astype(f32)
    feat = feature[0, :, :, 0].T.astype(f32)
    table1 = jnp.concatenate(
        [P, jnp.zeros((N, 13), f32), feat], axis=1)
    idx = neigh_idx.reshape(E).astype(jnp.int32)

    gath1 = _sc_gather(table1, idx)

    W1t = W1.T
    wA = W1t[1:4, :] + W1t[4:7, :]
    wB = W1t[7:10, :] - W1t[1:4, :]
    wD = jnp.broadcast_to(W1t[0:1, :], (8, 16))

    y1, stats1 = pl.pallas_call(
        _tc1_body,
        grid=(G,),
        in_specs=[
            pl.BlockSpec((RT, 32), lambda i: (i, 0)),
            pl.BlockSpec((TN, 3), lambda i: (i, 0)),
            _full((3, 16)),
            _full((3, 16)),
            _full((8, 16)),
            _full((8, 16)),
        ],
        out_specs=[
            pl.BlockSpec((RT, 16), lambda i: (i, 0)),
            _full((8, 32)),
        ],
        out_shape=[
            jax.ShapeDtypeStruct((E, 16), f32),
            jax.ShapeDtypeStruct((8, 32), f32),
        ],
    )(gath1, P, wA, wB, wD, jnp.broadcast_to(b1, (8, 16)))

    aWc = jnp.concatenate(
        [aW1.T, jnp.concatenate([jnp.zeros((16, 16), f32), W2.T], axis=0)],
        axis=1)
    abc = jnp.concatenate([ab1, b2])
    bn1 = jnp.stack([g1, be1])

    y_m1, y2, stats_m1, stats_y2 = pl.pallas_call(
        _tc2_body,
        grid=(G,),
        in_specs=[
            pl.BlockSpec((RT, 16), lambda i: (i, 0)),
            pl.BlockSpec((RT, 32), lambda i: (i, 0)),
            _full((8, 32)),
            _full((2, 16)),
            _full((32, 48)),
            _full((8, 48)),
            _full((32, 16)),
            _full((8, 16)),
        ],
        out_specs=[
            pl.BlockSpec((TN, 16), lambda i: (i, 0)),
            pl.BlockSpec((RT, 16), lambda i: (i, 0)),
            _full((8, 32)),
            _full((8, 32)),
        ],
        out_shape=[
            jax.ShapeDtypeStruct((N, 16), f32),
            jax.ShapeDtypeStruct((E, 16), f32),
            jax.ShapeDtypeStruct((8, 32), f32),
            jax.ShapeDtypeStruct((8, 32), f32),
        ],
    )(y1, gath1, stats1, bn1, aWc, jnp.broadcast_to(abc, (8, 48)),
      mW1.T, jnp.broadcast_to(mb1, (8, 16)))

    gath2 = _sc_gather(y_m1, idx)

    bn2 = jnp.stack([g2, be2])
    bnm1 = jnp.stack([mg1, mbe1])

    y_m2, stats_m2 = pl.pallas_call(
        _tc3_body,
        grid=(G,),
        in_specs=[
            pl.BlockSpec((RT, 16), lambda i: (i, 0)),
            pl.BlockSpec((RT, 16), lambda i: (i, 0)),
            _full((8, 32)),
            _full((2, 16)),
            _full((8, 32)),
            _full((2, 16)),
            _full((32, 32)),
            _full((8, 32)),
            _full((32, 32)),
            _full((8, 32)),
        ],
        out_specs=[
            pl.BlockSpec((TN, 32), lambda i: (i, 0)),
            _full((8, 64)),
        ],
        out_shape=[
            jax.ShapeDtypeStruct((N, 32), f32),
            jax.ShapeDtypeStruct((8, 64), f32),
        ],
    )(y2, gath2, stats_y2, bn2, stats_m1, bnm1, aW2.T,
      jnp.broadcast_to(ab2, (8, 32)), mW2.T, jnp.broadcast_to(mb2, (8, 32)))

    bnm2 = jnp.stack([mg2, mbe2])

    out = pl.pallas_call(
        _tc4_body,
        grid=(1,),
        in_specs=[
            _full((N, 32)),
            _full((8, 64)),
            _full((2, 32)),
        ],
        out_specs=_full((32, N)),
        out_shape=jax.ShapeDtypeStruct((32, N), f32),
    )(y_m2, stats_m2, bnm2)

    return out.reshape(1, 32, N, 1)

# --- scband reference (transcript-rebuilt; emitter-appended) ---
"""Pipeline reference for scband-building-block-7069516169462 (READ-ONLY COPY).

The authoritative reference and input builder live on the scoring server;
editing this copy changes nothing except your own understanding.
"""

import jax, jax.numpy as jnp
import numpy as np

B, N, K = 1, 50000, 16
D_OUT = 32

def _gather(pc, idx):
    # pc: [B, N, C], idx: [B, N, K] -> [B, N, K, C]
    return jax.vmap(lambda p, i: p[i])(pc, idx)

def _fc(x, W, b):
    # 1x1 conv as pointwise linear, channel-last. x: [B,N,K,Cin], W: [Cout,Cin]
    return jnp.einsum('bnkc,oc->bnko', x, W) + b

def _conv_bn(x, W, b, g, be):
    # conv2d(..., bn=True): 1x1 conv + batchnorm (training stats) + relu
    y = _fc(x, W, b)
    m = jnp.mean(y, axis=(0, 1, 2), keepdims=True)
    v = jnp.var(y, axis=(0, 1, 2), keepdims=True)
    y = (y - m) / jnp.sqrt(v + 1e-5) * g + be
    return jax.nn.relu(y)

def _att_pool(x, aW, ab, mW, mb, mg, mbe):
    att = _fc(x, aW, ab)
    scores = jax.nn.softmax(att, axis=2)  # softmax over neighbor axis (torch dim=3 in NCHW)
    agg = jnp.sum(x * scores, axis=2, keepdims=True)
    return _conv_bn(agg, mW, mb, mg, mbe)

def _rel_pos(xyz, idx):
    nb = _gather(xyz, idx)
    tile = jnp.broadcast_to(xyz[:, :, None, :], nb.shape)
    rel = tile - nb
    dis = jnp.sqrt(jnp.sum(rel ** 2, axis=-1, keepdims=True))
    return jnp.concatenate([dis, rel, tile, nb], axis=-1)  # [B,N,K,10]

def setup_inputs(seed: int = 0):
    key = jax.random.key(seed)
    ks = jax.random.split(key, 12)
    d = D_OUT
    dh = d // 2
    def w(k, o, i):
        return (jax.random.normal(k, (o, i), dtype=jnp.float32) / np.sqrt(i)).astype(jnp.float32)
    inp = {}
    inp['xyz'] = jax.random.normal(ks[0], (B, N, 3), dtype=jnp.float32)
    inp['feature'] = jax.random.normal(ks[1], (B, dh, N, 1), dtype=jnp.float32)
    inp['neigh_idx'] = jax.random.randint(ks[2], (B, N, K), 0, N)
    inp['W1'] = w(ks[3], dh, 10); inp['b1'] = jnp.zeros((dh,), jnp.float32)
    inp['g1'] = jnp.ones((dh,), jnp.float32); inp['be1'] = jnp.zeros((dh,), jnp.float32)
    inp['aW1'] = w(ks[4], d, d); inp['ab1'] = jnp.zeros((d,), jnp.float32)
    inp['mW1'] = w(ks[5], dh, d); inp['mb1'] = jnp.zeros((dh,), jnp.float32)
    inp['mg1'] = jnp.ones((dh,), jnp.float32); inp['mbe1'] = jnp.zeros((dh,), jnp.float32)
    inp['W2'] = w(ks[6], dh, dh); inp['b2'] = jnp.zeros((dh,), jnp.float32)
    inp['g2'] = jnp.ones((dh,), jnp.float32); inp['be2'] = jnp.zeros((dh,), jnp.float32)
    inp['aW2'] = w(ks[7], d, d); inp['ab2'] = jnp.zeros((d,), jnp.float32)
    inp['mW2'] = w(ks[8], d, d); inp['mb2'] = jnp.zeros((d,), jnp.float32)
    inp['mg2'] = jnp.ones((d,), jnp.float32); inp['mbe2'] = jnp.zeros((d,), jnp.float32)
    return inp

def reference(xyz, feature, neigh_idx, W1, b1, g1, be1, aW1, ab1, mW1, mb1, mg1, mbe1, W2, b2, g2, be2, aW2, ab2, mW2, mb2, mg2, mbe2):
    f_xyz = _rel_pos(xyz, neigh_idx)                 # [B,N,K,10]
    f_xyz = _conv_bn(f_xyz, W1, b1, g1, be1)         # [B,N,K,d/2]
    feat = jnp.transpose(feature[:, :, :, 0], (0, 2, 1))  # [B,N,d/2]
    f_nb = _gather(feat, neigh_idx)                  # [B,N,K,d/2]
    f_cat = jnp.concatenate([f_nb, f_xyz], axis=-1)  # [B,N,K,d]
    f_agg = _att_pool(f_cat, aW1, ab1, mW1, mb1, mg1, mbe1)  # [B,N,1,d/2]
    f_xyz2 = _conv_bn(f_xyz, W2, b2, g2, be2)        # [B,N,K,d/2]
    f_nb2 = _gather(f_agg[:, :, 0, :], neigh_idx)    # [B,N,K,d/2]
    f_cat2 = jnp.concatenate([f_nb2, f_xyz2], axis=-1)  # [B,N,K,d]
    out = _att_pool(f_cat2, aW2, ab2, mW2, mb2, mg2, mbe2)  # [B,N,1,d]
    return jnp.transpose(out, (0, 3, 1, 2))          # [B,d,N,1] to match torch NCHW

if __name__ == "__main__":
    import jax
    _d = setup_inputs()
    print(jax.jit(kernel)(*tuple(_d.values())))

</pallas_src>

<mosaic_0001>
#map = affine_map<(d0, d1) -> (0, 0)>
#map1 = affine_map<(d0, d1) -> (0)>
module attributes {stable_mosaic.version = 14 : i64} {
  func.func @k(%arg0: i32, %arg1: i32, %arg2: memref<50000x32xf32, #tpu.memory_space<hbm>>, %arg3: memref<800000xi32, #tpu.memory_space<hbm>>, %arg4: memref<800000x32xf32, #tpu.memory_space<hbm>>, %arg5: memref<1000xi32, #tpu.memory_space<vmem>>, %arg6: memref<1000x32xf32, #tpu.memory_space<vmem>>, %arg7: memref<!tpu.dma_semaphore, #tpu.memory_space<semaphore_mem>>) attributes {dimension_semantics = [#tpu.dimension_semantics<core_parallel>, #tpu.dimension_semantics<subcore_parallel>], iteration_bounds = array<i64: 2, 16>, scalar_prefetch = 0 : i64, scratch_operands = 3 : i64, tpu.core_type = #tpu.core_type<sc_vector_subcore>, window_params = [{transform_indices = #map}, {transform_indices = #map1}, {transform_indices = #map}]} {
    %mul3A = arith.constant 2 : i32
    %mul3A_0 = arith.muli %arg1, %mul3A : i32
    %add3A = arith.addi %mul3A_0, %arg0 : i32
    %mul3A_1 = arith.constant 25000 : i32
    %mul3A_2 = arith.muli %add3A, %mul3A_1 : i32
    %scan3A = arith.constant 0 : i32
    %scan3A_3 = arith.constant 0 : i32
    %scan3A_4 = arith.constant 25 : i32
    %scan3A_5 = arith.addi %scan3A_3, %scan3A_4 : i32
    %scan3A_6 = arith.constant 1 : i32
    scf.for %scan3A_8 = %scan3A_3 to %scan3A_5 step %scan3A_6  : i32 {
      %mul3A_9 = arith.constant 1000 : i32
      %mul3A_10 = arith.muli %scan3A_8, %mul3A_9 : i32
      %add3A_11 = arith.addi %mul3A_2, %mul3A_10 : i32
      "tpu.region"() ({
        %run_scoped3A = tpu.sem_alloc : memref<!tpu.dma_semaphore, #tpu.memory_space<semaphore_mem>>
        %dma_start3A_16 = tpu.memref_slice %arg3[%add3A_11] : memref<800000xi32, #tpu.memory_space<hbm>> -> memref<1000xi32, #tpu.memory_space<hbm>>
        %dma_start3A_17 = tpu.memref_slice %arg3[%add3A_11] : memref<800000xi32, #tpu.memory_space<hbm>> -> memref<1000xi32, #tpu.memory_space<hbm>>
        tpu.enqueue_dma source(%dma_start3A_17 : memref<1000xi32, #tpu.memory_space<hbm>>) target(%arg5 : memref<1000xi32, #tpu.memory_space<vmem>>) target_semaphore(%run_scoped3A : memref<!tpu.dma_semaphore, #tpu.memory_space<semaphore_mem>>)
        %dma_wait3A_18 = tpu.memref_slice %arg3[%add3A_11] : memref<800000xi32, #tpu.memory_space<hbm>> -> memref<1000xi32, #tpu.memory_space<hbm>>
        %dma_wait3A_19 = tpu.memref_slice %arg3[%add3A_11] : memref<800000xi32, #tpu.memory_space<hbm>> -> memref<1000xi32, #tpu.memory_space<hbm>>
        tpu.wait_dma2 semaphore(%run_scoped3A : memref<!tpu.dma_semaphore, #tpu.memory_space<semaphore_mem>>) src(%dma_wait3A_19 : memref<1000xi32, #tpu.memory_space<hbm>>) dst(%arg5 : memref<1000xi32, #tpu.memory_space<vmem>>)
        tpu.yield
      }) : () -> ()
      %dma_start3A = arith.constant 0 : i32
      %dma_start3A_12 = arith.constant 0 : i32
      %dma_start3A_13 = tpu.memref_slice %arg2[%dma_start3A, %dma_start3A_12] : memref<50000x32xf32, #tpu.memory_space<hbm>> -> memref<50000x32xf32, #tpu.memory_space<hbm>>
      tpu.enqueue_indirect_dma source(%dma_start3A_13 : memref<50000x32xf32, #tpu.memory_space<hbm>>) target(%arg6 : memref<1000x32xf32, #tpu.memory_space<vmem>>) offsets(%arg5 : memref<1000xi32, #tpu.memory_space<vmem>>) semaphore(%arg7 : memref<!tpu.dma_semaphore, #tpu.memory_space<semaphore_mem>>)
      %dma_wait3A = arith.constant 0 : i32
      %dma_wait3A_14 = arith.constant 0 : i32
      %dma_wait3A_15 = tpu.memref_slice %arg2[%dma_wait3A, %dma_wait3A_14] : memref<50000x32xf32, #tpu.memory_space<hbm>> -> memref<50000x32xf32, #tpu.memory_space<hbm>>
      tpu.wait_indirect_dma semaphore(%arg7 : memref<!tpu.dma_semaphore, #tpu.memory_space<semaphore_mem>>) src(%dma_wait3A_15 : memref<50000x32xf32, #tpu.memory_space<hbm>>) dst(%arg6 : memref<1000x32xf32, #tpu.memory_space<vmem>>)
      "tpu.region"() ({
        %run_scoped3A = tpu.sem_alloc : memref<!tpu.dma_semaphore, #tpu.memory_space<semaphore_mem>>
        %dma_start3A_16 = arith.constant 0 : i32
        %dma_start3A_17 = tpu.memref_slice %arg4[%add3A_11, %dma_start3A_16] : memref<800000x32xf32, #tpu.memory_space<hbm>> -> memref<1000x32xf32, #tpu.memory_space<hbm>>
        %dma_start3A_18 = arith.constant 0 : i32
        %dma_start3A_19 = tpu.memref_slice %arg4[%add3A_11, %dma_start3A_18] : memref<800000x32xf32, #tpu.memory_space<hbm>> -> memref<1000x32xf32, #tpu.memory_space<hbm>>
        tpu.enqueue_dma source(%arg6 : memref<1000x32xf32, #tpu.memory_space<vmem>>) target(%dma_start3A_19 : memref<1000x32xf32, #tpu.memory_space<hbm>>) target_semaphore(%run_scoped3A : memref<!tpu.dma_semaphore, #tpu.memory_space<semaphore_mem>>)
        %dma_wait3A_20 = arith.constant 0 : i32
        %dma_wait3A_21 = tpu.memref_slice %arg4[%add3A_11, %dma_wait3A_20] : memref<800000x32xf32, #tpu.memory_space<hbm>> -> memref<1000x32xf32, #tpu.memory_space<hbm>>
        %dma_wait3A_22 = arith.constant 0 : i32
        %dma_wait3A_23 = tpu.memref_slice %arg4[%add3A_11, %dma_wait3A_22] : memref<800000x32xf32, #tpu.memory_space<hbm>> -> memref<1000x32xf32, #tpu.memory_space<hbm>>
        tpu.wait_dma2 semaphore(%run_scoped3A : memref<!tpu.dma_semaphore, #tpu.memory_space<semaphore_mem>>) src(%arg6 : memref<1000x32xf32, #tpu.memory_space<vmem>>) dst(%dma_wait3A_23 : memref<1000x32xf32, #tpu.memory_space<hbm>>)
        tpu.yield
      }) : () -> ()
    }
    %scan3A_7 = arith.constant 25 : i32
    return
  }
}

#map = affine_map<(d0, d1) -> (0, 0)>
#map1 = affine_map<(d0, d1) -> (0)>
module attributes {stable_mosaic.version = 14 : i64} {
  func.func @k(%arg0: i32, %arg1: i32, %arg2: memref<50000x16xf32, #tpu.memory_space<hbm>>, %arg3: memref<800000xi32, #tpu.memory_space<hbm>>, %arg4: memref<800000x16xf32, #tpu.memory_space<hbm>>, %arg5: memref<1000xi32, #tpu.memory_space<vmem>>, %arg6: memref<1000x16xf32, #tpu.memory_space<vmem>>, %arg7: memref<!tpu.dma_semaphore, #tpu.memory_space<semaphore_mem>>) attributes {dimension_semantics = [#tpu.dimension_semantics<core_parallel>, #tpu.dimension_semantics<subcore_parallel>], iteration_bounds = array<i64: 2, 16>, scalar_prefetch = 0 : i64, scratch_operands = 3 : i64, tpu.core_type = #tpu.core_type<sc_vector_subcore>, window_params = [{transform_indices = #map}, {transform_indices = #map1}, {transform_indices = #map}]} {
    %mul3A = arith.constant 2 : i32
    %mul3A_0 = arith.muli %arg1, %mul3A : i32
    %add3A = arith.addi %mul3A_0, %arg0 : i32
    %mul3A_1 = arith.constant 25000 : i32
    %mul3A_2 = arith.muli %add3A, %mul3A_1 : i32
    %scan3A = arith.constant 0 : i32
    %scan3A_3 = arith.constant 0 : i32
    %scan3A_4 = arith.constant 25 : i32
    %scan3A_5 = arith.addi %scan3A_3, %scan3A_4 : i32
    %scan3A_6 = arith.constant 1 : i32
    scf.for %scan3A_8 = %scan3A_3 to %scan3A_5 step %scan3A_6  : i32 {
      %mul3A_9 = arith.constant 1000 : i32
      %mul3A_10 = arith.muli %scan3A_8, %mul3A_9 : i32
      %add3A_11 = arith.addi %mul3A_2, %mul3A_10 : i32
      "tpu.region"() ({
        %run_scoped3A = tpu.sem_alloc : memref<!tpu.dma_semaphore, #tpu.memory_space<semaphore_mem>>
        %dma_start3A_16 = tpu.memref_slice %arg3[%add3A_11] : memref<800000xi32, #tpu.memory_space<hbm>> -> memref<1000xi32, #tpu.memory_space<hbm>>
        %dma_start3A_17 = tpu.memref_slice %arg3[%add3A_11] : memref<800000xi32, #tpu.memory_space<hbm>> -> memref<1000xi32, #tpu.memory_space<hbm>>
        tpu.enqueue_dma source(%dma_start3A_17 : memref<1000xi32, #tpu.memory_space<hbm>>) target(%arg5 : memref<1000xi32, #tpu.memory_space<vmem>>) target_semaphore(%run_scoped3A : memref<!tpu.dma_semaphore, #tpu.memory_space<semaphore_mem>>)
        %dma_wait3A_18 = tpu.memref_slice %arg3[%add3A_11] : memref<800000xi32, #tpu.memory_space<hbm>> -> memref<1000xi32, #tpu.memory_space<hbm>>
        %dma_wait3A_19 = tpu.memref_slice %arg3[%add3A_11] : memref<800000xi32, #tpu.memory_space<hbm>> -> memref<1000xi32, #tpu.memory_space<hbm>>
        tpu.wait_dma2 semaphore(%run_scoped3A : memref<!tpu.dma_semaphore, #tpu.memory_space<semaphore_mem>>) src(%dma_wait3A_19 : memref<1000xi32, #tpu.memory_space<hbm>>) dst(%arg5 : memref<1000xi32, #tpu.memory_space<vmem>>)
        tpu.yield
      }) : () -> ()
      %dma_start3A = arith.constant 0 : i32
      %dma_start3A_12 = arith.constant 0 : i32
      %dma_start3A_13 = tpu.memref_slice %arg2[%dma_start3A, %dma_start3A_12] : memref<50000x16xf32, #tpu.memory_space<hbm>> -> memref<50000x16xf32, #tpu.memory_space<hbm>>
      tpu.enqueue_indirect_dma source(%dma_start3A_13 : memref<50000x16xf32, #tpu.memory_space<hbm>>) target(%arg6 : memref<1000x16xf32, #tpu.memory_space<vmem>>) offsets(%arg5 : memref<1000xi32, #tpu.memory_space<vmem>>) semaphore(%arg7 : memref<!tpu.dma_semaphore, #tpu.memory_space<semaphore_mem>>)
      %dma_wait3A = arith.constant 0 : i32
      %dma_wait3A_14 = arith.constant 0 : i32
      %dma_wait3A_15 = tpu.memref_slice %arg2[%dma_wait3A, %dma_wait3A_14] : memref<50000x16xf32, #tpu.memory_space<hbm>> -> memref<50000x16xf32, #tpu.memory_space<hbm>>
      tpu.wait_indirect_dma semaphore(%arg7 : memref<!tpu.dma_semaphore, #tpu.memory_space<semaphore_mem>>) src(%dma_wait3A_15 : memref<50000x16xf32, #tpu.memory_space<hbm>>) dst(%arg6 : memref<1000x16xf32, #tpu.memory_space<vmem>>)
      "tpu.region"() ({
        %run_scoped3A = tpu.sem_alloc : memref<!tpu.dma_semaphore, #tpu.memory_space<semaphore_mem>>
        %dma_start3A_16 = arith.constant 0 : i32
        %dma_start3A_17 = tpu.memref_slice %arg4[%add3A_11, %dma_start3A_16] : memref<800000x16xf32, #tpu.memory_space<hbm>> -> memref<1000x16xf32, #tpu.memory_space<hbm>>
        %dma_start3A_18 = arith.constant 0 : i32
        %dma_start3A_19 = tpu.memref_slice %arg4[%add3A_11, %dma_start3A_18] : memref<800000x16xf32, #tpu.memory_space<hbm>> -> memref<1000x16xf32, #tpu.memory_space<hbm>>
        tpu.enqueue_dma source(%arg6 : memref<1000x16xf32, #tpu.memory_space<vmem>>) target(%dma_start3A_19 : memref<1000x16xf32, #tpu.memory_space<hbm>>) target_semaphore(%run_scoped3A : memref<!tpu.dma_semaphore, #tpu.memory_space<semaphore_mem>>)
        %dma_wait3A_20 = arith.constant 0 : i32
        %dma_wait3A_21 = tpu.memref_slice %arg4[%add3A_11, %dma_wait3A_20] : memref<800000x16xf32, #tpu.memory_space<hbm>> -> memref<1000x16xf32, #tpu.memory_space<hbm>>
        %dma_wait3A_22 = arith.constant 0 : i32
        %dma_wait3A_23 = tpu.memref_slice %arg4[%add3A_11, %dma_wait3A_22] : memref<800000x16xf32, #tpu.memory_space<hbm>> -> memref<1000x16xf32, #tpu.memory_space<hbm>>
        tpu.wait_dma2 semaphore(%run_scoped3A : memref<!tpu.dma_semaphore, #tpu.memory_space<semaphore_mem>>) src(%arg6 : memref<1000x16xf32, #tpu.memory_space<vmem>>) dst(%dma_wait3A_23 : memref<1000x16xf32, #tpu.memory_space<hbm>>)
        tpu.yield
      }) : () -> ()
    }
    %scan3A_7 = arith.constant 25 : i32
    return
  }
}

module attributes {stable_mosaic.version = 14 : i64} {
  func.func @_tc1_body(%arg0: i32, %arg1: memref<6400x32xf32, #tpu.memory_space<vmem>>, %arg2: memref<400x3xf32, #tpu.memory_space<vmem>>, %arg3: memref<3x16xf32, #tpu.memory_space<vmem>>, %arg4: memref<3x16xf32, #tpu.memory_space<vmem>>, %arg5: memref<8x16xf32, #tpu.memory_space<vmem>>, %arg6: memref<8x16xf32, #tpu.memory_space<vmem>>, %arg7: memref<6400x16xf32, #tpu.memory_space<vmem>>, %arg8: memref<8x32xf32, #tpu.memory_space<vmem>>) attributes {dimension_semantics = [#tpu.dimension_semantics<arbitrary>], iteration_bounds = array<i64: 125>, scalar_prefetch = 0 : i64, scratch_operands = 0 : i64, tpu.core_type = #tpu.core_type<tc>, window_params = [{transform_indices = @transform_0, window_bounds = array<i64: 6400, 32>}, {transform_indices = @transform_1, window_bounds = array<i64: 400, 3>}, {pipeline_mode = #tpu.pipeline_mode<synchronous>, transform_indices = @transform_2, window_bounds = array<i64: 3, 16>}, {pipeline_mode = #tpu.pipeline_mode<synchronous>, transform_indices = @transform_3, window_bounds = array<i64: 3, 16>}, {pipeline_mode = #tpu.pipeline_mode<synchronous>, transform_indices = @transform_4, window_bounds = array<i64: 8, 16>}, {pipeline_mode = #tpu.pipeline_mode<synchronous>, transform_indices = @transform_5, window_bounds = array<i64: 8, 16>}, {transform_indices = @transform_6, window_bounds = array<i64: 6400, 16>}, {pipeline_mode = #tpu.pipeline_mode<synchronous>, transform_indices = @transform_7, window_bounds = array<i64: 8, 32>}]} {
    %get3A = arith.constant 0 : index
    %get3A_0 = arith.constant 0 : index
    %get3A_1 = vector.load %arg1[%get3A, %get3A_0] : memref<6400x32xf32, #tpu.memory_space<vmem>>, vector<6400x32xf32>
    %slice3A = vector.extract_strided_slice %get3A_1 {offsets = [0, 0], sizes = [6400, 3], strides = [1, 1]} : vector<6400x32xf32> to vector<6400x3xf32>
    %get3A_2 = arith.constant 0 : index
    %get3A_3 = arith.constant 0 : index
    %get3A_4 = vector.load %arg2[%get3A_2, %get3A_3] : memref<400x3xf32, #tpu.memory_space<vmem>>, vector<400x3xf32>
    %broadcast_in_dim3A = vector.shape_cast %get3A_4 : vector<400x3xf32> to vector<400x1x3xf32>
    %broadcast_in_dim3A_5 = vector.shape_cast %broadcast_in_dim3A : vector<400x1x3xf32> to vector<400x1x3xf32>
    %broadcast_in_dim3A_6 = vector.broadcast %broadcast_in_dim3A_5 : vector<400x1x3xf32> to vector<400x16x3xf32>
    %reshape3A = vector.shape_cast %broadcast_in_dim3A_6 : vector<400x16x3xf32> to vector<6400x3xf32>
    %sub3A = arith.subf %reshape3A, %slice3A : vector<6400x3xf32>
    %mul3A = arith.mulf %sub3A, %sub3A : vector<6400x3xf32>
    %reduce_sum3A = arith.constant dense<0.000000e+00> : vector<6400xf32>
    %reduce_sum3A_7 = vector.multi_reduction <add>, %mul3A, %reduce_sum3A [1] : vector<6400x3xf32> to vector<6400xf32>
    %broadcast_in_dim3A_8 = vector.shape_cast %reduce_sum3A_7 : vector<6400xf32> to vector<6400x1xf32>
    %sqrt3A = math.sqrt %broadcast_in_dim3A_8 : vector<6400x1xf32>
    %get3A_9 = arith.constant 0 : index
    %get3A_10 = arith.constant 0 : index
    %get3A_11 = vector.load %arg2[%get3A_9, %get3A_10] : memref<400x3xf32, #tpu.memory_space<vmem>>, vector<400x3xf32>
    %get3A_12 = arith.constant 0 : index
    %get3A_13 = arith.constant 0 : index
    %get3A_14 = vector.load %arg3[%get3A_12, %get3A_13] : memref<3x16xf32, #tpu.memory_space<vmem>>, vector<3x16xf32>
    %dot_general3A = arith.constant dense<0.000000e+00> : vector<400x16xf32>
    %dot_general3A_15 = tpu.matmul %get3A_11, %get3A_14, %dot_general3A {dimension_numbers = #tpu.dot_dimension_numbers<[1], [0], [0], [1], [0, 0, 1, 1], [], []>, transpose_lhs_hint = false} : vector<400x3xf32>, vector<3x16xf32>, vector<400x16xf32> -> vector<400x16xf32>
    %broadcast_in_dim3A_16 = vector.shape_cast %dot_general3A_15 : vector<400x16xf32> to vector<400x1x16xf32>
    %broadcast_in_dim3A_17 = vector.shape_cast %broadcast_in_dim3A_16 : vector<400x1x16xf32> to vector<400x1x16xf32>
    %broadcast_in_dim3A_18 = vector.broadcast %broadcast_in_dim3A_17 : vector<400x1x16xf32> to vector<400x16x16xf32>
    %reshape3A_19 = vector.shape_cast %broadcast_in_dim3A_18 : vector<400x16x16xf32> to vector<6400x16xf32>
    %get3A_20 = arith.constant 0 : index
    %get3A_21 = arith.constant 0 : index
    %get3A_22 = vector.load %arg4[%get3A_20, %get3A_21] : memref<3x16xf32, #tpu.memory_space<vmem>>, vector<3x16xf32>
    %dot_general3A_23 = arith.constant dense<0.000000e+00> : vector<6400x16xf32>
    %dot_general3A_24 = tpu.matmul %slice3A, %get3A_22, %dot_general3A_23 {dimension_numbers = #tpu.dot_dimension_numbers<[1], [0], [0], [1], [0, 0, 1, 1], [], []>, transpose_lhs_hint = false} : vector<6400x3xf32>, vector<3x16xf32>, vector<6400x16xf32> -> vector<6400x16xf32>
    %add3A = arith.addf %reshape3A_19, %dot_general3A_24 : vector<6400x16xf32>
    %get3A_25 = arith.constant 0 : index
    %get3A_26 = arith.constant 0 : index
    %get3A_27 = vector.load %arg5[%get3A_25, %get3A_26] : memref<8x16xf32, #tpu.memory_space<vmem>>, vector<1x16xf32>
    %mul3A_28 = vector.broadcast %sqrt3A : vector<6400x1xf32> to vector<6400x16xf32>
    %mul3A_29 = vector.broadcast %get3A_27 : vector<1x16xf32> to vector<6400x16xf32>
    %mul3A_30 = arith.mulf %mul3A_28, %mul3A_29 : vector<6400x16xf32>
    %add3A_31 = arith.addf %add3A, %mul3A_30 : vector<6400x16xf32>
    %get3A_32 = arith.constant 0 : index
    %get3A_33 = arith.constant 0 : index
    %get3A_34 = vector.load %arg6[%get3A_32, %get3A_33] : memref<8x16xf32, #tpu.memory_space<vmem>>, vector<1x16xf32>
    %add3A_35 = vector.broadcast %get3A_34 : vector<1x16xf32> to vector<6400x16xf32>
    %add3A_36 = arith.addf %add3A_31, %add3A_35 : vector<6400x16xf32>
    %swap3A = arith.constant 0 : index
    %swap3A_37 = arith.constant 0 : index
    %swap3A_38 = vector.load %arg7[%swap3A, %swap3A_37] : memref<6400x16xf32, #tpu.memory_space<vmem>>, vector<6400x16xf32>
    tpu.vector_store %arg7[%swap3A, %swap3A_37], %add3A_36 {strides = array<i32>} : memref<6400x16xf32, #tpu.memory_space<vmem>>, vector<6400x16xf32>,
    %reduce_sum3A_39 = arith.constant dense<0.000000e+00> : vector<16xf32>
    %reduce_sum3A_40 = vector.multi_reduction <add>, %add3A_36, %reduce_sum3A_39 [0] : vector<6400x16xf32> to vector<16xf32>
    %broadcast_in_dim3A_41 = vector.shape_cast %reduce_sum3A_40 : vector<16xf32> to vector<1x16xf32>
    %mul3A_42 = arith.mulf %add3A_36, %add3A_36 : vector<6400x16xf32>
    %reduce_sum3A_43 = arith.constant dense<0.000000e+00> : vector<16xf32>
    %reduce_sum3A_44 = vector.multi_reduction <add>, %mul3A_42, %reduce_sum3A_43 [0] : vector<6400x16xf32> to vector<16xf32>
    %broadcast_in_dim3A_45 = vector.shape_cast %reduce_sum3A_44 : vector<16xf32> to vector<1x16xf32>
    %concatenate3A = tpu.concatenate %broadcast_in_dim3A_41, %broadcast_in_dim3A_45 in 1 : vector<1x16xf32>, vector<1x16xf32> -> vector<1x32xf32>
    %broadcast_in_dim3A_46 = vector.shape_cast %concatenate3A : vector<1x32xf32> to vector<1x32xf32>
    %broadcast_in_dim3A_47 = vector.broadcast %broadcast_in_dim3A_46 : vector<1x32xf32> to vector<8x32xf32>
    %eq3A = arith.constant 0 : i32
    %eq3A_48 = arith.cmpi eq, %arg0, %eq3A : i32
    %convert_element_type3A = arith.extui %eq3A_48 : i1 to i32
    %cond3A = arith.constant 0 : i32
    %cond3A_49 = arith.cmpi ne, %convert_element_type3A, %cond3A : i32
    scf.if %cond3A_49 {
      %swap3A_54 = arith.constant 0 : index
      %swap3A_55 = arith.constant 0 : index
      %swap3A_56 = vector.load %arg8[%swap3A_54, %swap3A_55] : memref<8x32xf32, #tpu.memory_space<vmem>>, vector<8x32xf32>
      tpu.vector_store %arg8[%swap3A_54, %swap3A_55], %broadcast_in_dim3A_47 {strides = array<i32>} : memref<8x32xf32, #tpu.memory_space<vmem>>, vector<8x32xf32>,
    } else {
    }
    %gt3A = arith.constant 0 : i32
    %gt3A_50 = arith.cmpi sgt, %arg0, %gt3A : i32
    %convert_element_type3A_51 = arith.extui %gt3A_50 : i1 to i32
    %cond3A_52 = arith.constant 0 : i32
    %cond3A_53 = arith.cmpi ne, %convert_element_type3A_51, %cond3A_52 : i32
    scf.if %cond3A_53 {
      %get3A_54 = arith.constant 0 : index
      %get3A_55 = arith.constant 0 : index
      %get3A_56 = vector.load %arg8[%get3A_54, %get3A_55] : memref<8x32xf32, #tpu.memory_space<vmem>>, vector<8x32xf32>
      %add3A_57 = arith.addf %get3A_56, %broadcast_in_dim3A_47 : vector<8x32xf32>
      %swap3A_58 = arith.constant 0 : index
      %swap3A_59 = arith.constant 0 : index
      %swap3A_60 = vector.load %arg8[%swap3A_58, %swap3A_59] : memref<8x32xf32, #tpu.memory_space<vmem>>, vector<8x32xf32>
      tpu.vector_store %arg8[%swap3A_58, %swap3A_59], %add3A_57 {strides = array<i32>} : memref<8x32xf32, #tpu.memory_space<vmem>>, vector<8x32xf32>,
    } else {
    }
    return
  }
  func.func @transform_0(%arg0: i32) -> (i32, i32) {
    %c0_i32 = arith.constant 0 : i32
    %c0_i32_0 = arith.constant 0 : i32
    return %arg0, %c0_i32 : i32, i32
  }
  func.func @transform_1(%arg0: i32) -> (i32, i32) {
    %c0_i32 = arith.constant 0 : i32
    %c0_i32_0 = arith.constant 0 : i32
    return %arg0, %c0_i32 : i32, i32
  }
  func.func @transform_2(%arg0: i32) -> (i32, i32) {
    %c0_i32 = arith.constant 0 : i32
    %c0_i32_0 = arith.constant 0 : i32
    %c0_i32_1 = arith.constant 0 : i32
    return %c0_i32, %c0_i32_0 : i32, i32
  }
  func.func @transform_3(%arg0: i32) -> (i32, i32) {
    %c0_i32 = arith.constant 0 : i32
    %c0_i32_0 = arith.constant 0 : i32
    %c0_i32_1 = arith.constant 0 : i32
    return %c0_i32, %c0_i32_0 : i32, i32
  }
  func.func @transform_4(%arg0: i32) -> (i32, i32) {
    %c0_i32 = arith.constant 0 : i32
    %c0_i32_0 = arith.constant 0 : i32
    %c0_i32_1 = arith.constant 0 : i32
    return %c0_i32, %c0_i32_0 : i32, i32
  }
  func.func @transform_5(%arg0: i32) -> (i32, i32) {
    %c0_i32 = arith.constant 0 : i32
    %c0_i32_0 = arith.constant 0 : i32
    %c0_i32_1 = arith.constant 0 : i32
    return %c0_i32, %c0_i32_0 : i32, i32
  }
  func.func @transform_6(%arg0: i32) -> (i32, i32) {
    %c0_i32 = arith.constant 0 : i32
    %c0_i32_0 = arith.constant 0 : i32
    return %arg0, %c0_i32 : i32, i32
  }
  func.func @transform_7(%arg0: i32) -> (i32, i32) {
    %c0_i32 = arith.constant 0 : i32
    %c0_i32_0 = arith.constant 0 : i32
    %c0_i32_1 = arith.constant 0 : i32
    return %c0_i32, %c0_i32_0 : i32, i32
  }
}

module attributes {stable_mosaic.version = 14 : i64} {
  func.func @_tc2_body(%arg0: i32, %arg1: memref<6400x16xf32, #tpu.memory_space<vmem>>, %arg2: memref<6400x32xf32, #tpu.memory_space<vmem>>, %arg3: memref<8x32xf32, #tpu.memory_space<vmem>>, %arg4: memref<2x16xf32, #tpu.memory_space<vmem>>, %arg5: memref<32x48xf32, #tpu.memory_space<vmem>>, %arg6: memref<8x48xf32, #tpu.memory_space<vmem>>, %arg7: memref<32x16xf32, #tpu.memory_space<vmem>>, %arg8: memref<8x16xf32, #tpu.memory_space<vmem>>, %arg9: memref<400x16xf32, #tpu.memory_space<vmem>>, %arg10: memref<6400x16xf32, #tpu.memory_space<vmem>>, %arg11: memref<8x32xf32, #tpu.memory_space<vmem>>, %arg12: memref<8x32xf32, #tpu.memory_space<vmem>>) attributes {dimension_semantics = [#tpu.dimension_semantics<arbitrary>], iteration_bounds = array<i64: 125>, scalar_prefetch = 0 : i64, scratch_operands = 0 : i64, tpu.core_type = #tpu.core_type<tc>, window_params = [{transform_indices = @transform_0, window_bounds = array<i64: 6400, 16>}, {transform_indices = @transform_1, window_bounds = array<i64: 6400, 32>}, {pipeline_mode = #tpu.pipeline_mode<synchronous>, transform_indices = @transform_2, window_bounds = array<i64: 8, 32>}, {pipeline_mode = #tpu.pipeline_mode<synchronous>, transform_indices = @transform_3, window_bounds = array<i64: 2, 16>}, {pipeline_mode = #tpu.pipeline_mode<synchronous>, transform_indices = @transform_4, window_bounds = array<i64: 32, 48>}, {pipeline_mode = #tpu.pipeline_mode<synchronous>, transform_indices = @transform_5, window_bounds = array<i64: 8, 48>}, {pipeline_mode = #tpu.pipeline_mode<synchronous>, transform_indices = @transform_6, window_bounds = array<i64: 32, 16>}, {pipeline_mode = #tpu.pipeline_mode<synchronous>, transform_indices = @transform_7, window_bounds = array<i64: 8, 16>}, {transform_indices = @transform_8, window_bounds = array<i64: 400, 16>}, {transform_indices = @transform_9, window_bounds = array<i64: 6400, 16>}, {pipeline_mode = #tpu.pipeline_mode<synchronous>, transform_indices = @transform_10, window_bounds = array<i64: 8, 32>}, {pipeline_mode = #tpu.pipeline_mode<synchronous>, transform_indices = @transform_11, window_bounds = array<i64: 8, 32>}]} {
    %get3A = arith.constant 0 : index
    %get3A_0 = arith.constant 0 : index
    %get3A_1 = vector.load %arg3[%get3A, %get3A_0] : memref<8x32xf32, #tpu.memory_space<vmem>>, vector<8x32xf32>
    %get3A_2 = arith.constant 0 : index
    %get3A_3 = arith.constant 0 : index
    %get3A_4 = vector.load %arg4[%get3A_2, %get3A_3] : memref<2x16xf32, #tpu.memory_space<vmem>>, vector<1x16xf32>
    %get3A_5 = arith.constant 1 : index
    %get3A_6 = arith.constant 0 : index
    %get3A_7 = vector.load %arg4[%get3A_5, %get3A_6] : memref<2x16xf32, #tpu.memory_space<vmem>>, vector<1x16xf32>
    %slice3A = vector.extract_strided_slice %get3A_1 {offsets = [0, 0], sizes = [1, 16], strides = [1, 1]} : vector<8x32xf32> to vector<1x16xf32>
    %slice3A_8 = vector.extract_strided_slice %get3A_1 {offsets = [0, 16], sizes = [1, 16], strides = [1, 1]} : vector<8x32xf32> to vector<1x16xf32>
    %div3A = arith.constant 8.000000e+05 : f32
    %div3A_9 = vector.broadcast %div3A : f32 to vector<1x16xf32>
    %div3A_10 = arith.divf %slice3A, %div3A_9 : vector<1x16xf32>
    %div3A_11 = arith.constant 8.000000e+05 : f32
    %div3A_12 = vector.broadcast %div3A_11 : f32 to vector<1x16xf32>
    %div3A_13 = arith.divf %slice3A_8, %div3A_12 : vector<1x16xf32>
    %mul3A = arith.mulf %div3A_10, %div3A_10 : vector<1x16xf32>
    %sub3A = arith.subf %div3A_13, %mul3A : vector<1x16xf32>
    %add3A = arith.constant 9.99999974E-6 : f32
    %add3A_14 = vector.broadcast %add3A : f32 to vector<1x16xf32>
    %add3A_15 = arith.addf %sub3A, %add3A_14 : vector<1x16xf32>
    %sqrt3A = math.sqrt %add3A_15 : vector<1x16xf32>
    %div3A_16 = arith.divf %get3A_4, %sqrt3A : vector<1x16xf32>
    %mul3A_17 = arith.mulf %div3A_10, %div3A_16 : vector<1x16xf32>
    %sub3A_18 = arith.subf %get3A_7, %mul3A_17 : vector<1x16xf32>
    %get3A_19 = arith.constant 0 : index
    %get3A_20 = arith.constant 0 : index
    %get3A_21 = vector.load %arg1[%get3A_19, %get3A_20] : memref<6400x16xf32, #tpu.memory_space<vmem>>, vector<6400x16xf32>
    %mul3A_22 = vector.broadcast %div3A_16 : vector<1x16xf32> to vector<6400x16xf32>
    %mul3A_23 = arith.mulf %get3A_21, %mul3A_22 : vector<6400x16xf32>
    %add3A_24 = vector.broadcast %sub3A_18 : vector<1x16xf32> to vector<6400x16xf32>
    %add3A_25 = arith.addf %mul3A_23, %add3A_24 : vector<6400x16xf32>
    %max3A = arith.constant 0.000000e+00 : f32
    %max3A_26 = vector.broadcast %max3A : f32 to vector<6400x16xf32>
    %max3A_27 = arith.maximumf %add3A_25, %max3A_26 : vector<6400x16xf32>
    %get3A_28 = arith.constant 0 : index
    %get3A_29 = arith.constant 0 : index
    %get3A_30 = vector.load %arg2[%get3A_28, %get3A_29] : memref<6400x32xf32, #tpu.memory_space<vmem>>, vector<6400x32xf32>
    %slice3A_31 = vector.extract_strided_slice %get3A_30 {offsets = [0, 16], sizes = [6400, 16], strides = [1, 1]} : vector<6400x32xf32> to vector<6400x16xf32>
    %concatenate3A = tpu.concatenate %slice3A_31, %max3A_27 in 1 : vector<6400x16xf32>, vector<6400x16xf32> -> vector<6400x32xf32>
    %get3A_32 = arith.constant 0 : index
    %get3A_33 = arith.constant 0 : index
    %get3A_34 = vector.load %arg5[%get3A_32, %get3A_33] : memref<32x48xf32, #tpu.memory_space<vmem>>, vector<32x48xf32>
    %dot_general3A = arith.constant dense<0.000000e+00> : vector<6400x48xf32>
    %dot_general3A_35 = tpu.matmul %concatenate3A, %get3A_34, %dot_general3A {dimension_numbers = #tpu.dot_dimension_numbers<[1], [0], [0], [1], [0, 0, 1, 1], [], []>, transpose_lhs_hint = false} : vector<6400x32xf32>, vector<32x48xf32>, vector<6400x48xf32> -> vector<6400x48xf32>
    %get3A_36 = arith.constant 0 : index
    %get3A_37 = arith.constant 0 : index
    %get3A_38 = vector.load %arg6[%get3A_36, %get3A_37] : memref<8x48xf32, #tpu.memory_space<vmem>>, vector<1x48xf32>
    %add3A_39 = vector.broadcast %get3A_38 : vector<1x48xf32> to vector<6400x48xf32>
    %add3A_40 = arith.addf %dot_general3A_35, %add3A_39 : vector<6400x48xf32>
    %slice3A_41 = vector.extract_strided_slice %add3A_40 {offsets = [0, 0], sizes = [6400, 32], strides = [1, 1]} : vector<6400x48xf32> to vector<6400x32xf32>
    %slice3A_42 = vector.extract_strided_slice %add3A_40 {offsets = [0, 32], sizes = [6400, 16], strides = [1, 1]} : vector<6400x48xf32> to vector<6400x16xf32>
    %reshape3A = vector.shape_cast %slice3A_41 : vector<6400x32xf32> to vector<400x16x32xf32>
    %reshape3A_43 = vector.shape_cast %concatenate3A : vector<6400x32xf32> to vector<400x16x32xf32>
    %reduce_max3A = arith.constant dense<0xFF800000> : vector<400x32xf32>
    %reduce_max3A_44 = vector.multi_reduction <maximumf>, %reshape3A, %reduce_max3A [1] : vector<400x16x32xf32> to vector<400x32xf32>
    %broadcast_in_dim3A = vector.shape_cast %reduce_max3A_44 : vector<400x32xf32> to vector<400x1x32xf32>
    %sub3A_45 = vector.broadcast %broadcast_in_dim3A : vector<400x1x32xf32> to vector<400x16x32xf32>
    %sub3A_46 = arith.subf %reshape3A, %sub3A_45 : vector<400x16x32xf32>
    %exp3A = math.exp %sub3A_46 : vector<400x16x32xf32>
    %reduce_sum3A = arith.constant dense<0.000000e+00> : vector<400x32xf32>
    %reduce_sum3A_47 = vector.multi_reduction <add>, %exp3A, %reduce_sum3A [1] : vector<400x16x32xf32> to vector<400x32xf32>
    %broadcast_in_dim3A_48 = vector.shape_cast %reduce_sum3A_47 : vector<400x32xf32> to vector<400x1x32xf32>
    %div3A_49 = vector.broadcast %broadcast_in_dim3A_48 : vector<400x1x32xf32> to vector<400x16x32xf32>
    %div3A_50 = arith.divf %exp3A, %div3A_49 : vector<400x16x32xf32>
    %mul3A_51 = arith.mulf %reshape3A_43, %div3A_50 : vector<400x16x32xf32>
    %reduce_sum3A_52 = arith.constant dense<0.000000e+00> : vector<400x32xf32>
    %reduce_sum3A_53 = vector.multi_reduction <add>, %mul3A_51, %reduce_sum3A_52 [1] : vector<400x16x32xf32> to vector<400x32xf32>
    %get3A_54 = arith.constant 0 : index
    %get3A_55 = arith.constant 0 : index
    %get3A_56 = vector.load %arg7[%get3A_54, %get3A_55] : memref<32x16xf32, #tpu.memory_space<vmem>>, vector<32x16xf32>
    %dot_general3A_57 = arith.constant dense<0.000000e+00> : vector<400x16xf32>
    %dot_general3A_58 = tpu.matmul %reduce_sum3A_53, %get3A_56, %dot_general3A_57 {dimension_numbers = #tpu.dot_dimension_numbers<[1], [0], [0], [1], [0, 0, 1, 1], [], []>, transpose_lhs_hint = false} : vector<400x32xf32>, vector<32x16xf32>, vector<400x16xf32> -> vector<400x16xf32>
    %get3A_59 = arith.constant 0 : index
    %get3A_60 = arith.constant 0 : index
    %get3A_61 = vector.load %arg8[%get3A_59, %get3A_60] : memref<8x16xf32, #tpu.memory_space<vmem>>, vector<1x16xf32>
    %add3A_62 = vector.broadcast %get3A_61 : vector<1x16xf32> to vector<400x16xf32>
    %add3A_63 = arith.addf %dot_general3A_58, %add3A_62 : vector<400x16xf32>
    %swap3A = arith.constant 0 : index
    %swap3A_64 = arith.constant 0 : index
    %swap3A_65 = vector.load %arg9[%swap3A, %swap3A_64] : memref<400x16xf32, #tpu.memory_space<vmem>>, vector<400x16xf32>
    tpu.vector_store %arg9[%swap3A, %swap3A_64], %add3A_63 {strides = array<i32>} : memref<400x16xf32, #tpu.memory_space<vmem>>, vector<400x16xf32>,
    %swap3A_66 = arith.constant 0 : index
    %swap3A_67 = arith.constant 0 : index
    %swap3A_68 = vector.load %arg10[%swap3A_66, %swap3A_67] : memref<6400x16xf32, #tpu.memory_space<vmem>>, vector<6400x16xf32>
    tpu.vector_store %arg10[%swap3A_66, %swap3A_67], %slice3A_42 {strides = array<i32>} : memref<6400x16xf32, #tpu.memory_space<vmem>>, vector<6400x16xf32>,
    %reduce_sum3A_69 = arith.constant dense<0.000000e+00> : vector<16xf32>
    %reduce_sum3A_70 = vector.multi_reduction <add>, %add3A_63, %reduce_sum3A_69 [0] : vector<400x16xf32> to vector<16xf32>
    %broadcast_in_dim3A_71 = vector.shape_cast %reduce_sum3A_70 : vector<16xf32> to vector<1x16xf32>
    %mul3A_72 = arith.mulf %add3A_63, %add3A_63 : vector<400x16xf32>
    %reduce_sum3A_73 = arith.constant dense<0.000000e+00> : vector<16xf32>
    %reduce_sum3A_74 = vector.multi_reduction <add>, %mul3A_72, %reduce_sum3A_73 [0] : vector<400x16xf32> to vector<16xf32>
    %broadcast_in_dim3A_75 = vector.shape_cast %reduce_sum3A_74 : vector<16xf32> to vector<1x16xf32>
    %concatenate3A_76 = tpu.concatenate %broadcast_in_dim3A_71, %broadcast_in_dim3A_75 in 1 : vector<1x16xf32>, vector<1x16xf32> -> vector<1x32xf32>
    %broadcast_in_dim3A_77 = vector.shape_cast %concatenate3A_76 : vector<1x32xf32> to vector<1x32xf32>
    %broadcast_in_dim3A_78 = vector.broadcast %broadcast_in_dim3A_77 : vector<1x32xf32> to vector<8x32xf32>
    %eq3A = arith.constant 0 : i32
    %eq3A_79 = arith.cmpi eq, %arg0, %eq3A : i32
    %convert_element_type3A = arith.extui %eq3A_79 : i1 to i32
    %cond3A = arith.constant 0 : i32
    %cond3A_80 = arith.cmpi ne, %convert_element_type3A, %cond3A : i32
    scf.if %cond3A_80 {
      %swap3A_105 = arith.constant 0 : index
      %swap3A_106 = arith.constant 0 : index
      %swap3A_107 = vector.load %arg11[%swap3A_105, %swap3A_106] : memref<8x32xf32, #tpu.memory_space<vmem>>, vector<8x32xf32>
      tpu.vector_store %arg11[%swap3A_105, %swap3A_106], %broadcast_in_dim3A_78 {strides = array<i32>} : memref<8x32xf32, #tpu.memory_space<vmem>>, vector<8x32xf32>,
    } else {
    }
    %gt3A = arith.constant 0 : i32
    %gt3A_81 = arith.cmpi sgt, %arg0, %gt3A : i32
    %convert_element_type3A_82 = arith.extui %gt3A_81 : i1 to i32
    %cond3A_83 = arith.constant 0 : i32
    %cond3A_84 = arith.cmpi ne, %convert_element_type3A_82, %cond3A_83 : i32
    scf.if %cond3A_84 {
      %get3A_105 = arith.constant 0 : index
      %get3A_106 = arith.constant 0 : index
      %get3A_107 = vector.load %arg11[%get3A_105, %get3A_106] : memref<8x32xf32, #tpu.memory_space<vmem>>, vector<8x32xf32>
      %add3A_108 = arith.addf %get3A_107, %broadcast_in_dim3A_78 : vector<8x32xf32>
      %swap3A_109 = arith.constant 0 : index
      %swap3A_110 = arith.constant 0 : index
      %swap3A_111 = vector.load %arg11[%swap3A_109, %swap3A_110] : memref<8x32xf32, #tpu.memory_space<vmem>>, vector<8x32xf32>
      tpu.vector_store %arg11[%swap3A_109, %swap3A_110], %add3A_108 {strides = array<i32>} : memref<8x32xf32, #tpu.memory_space<vmem>>, vector<8x32xf32>,
    } else {
    }
    %reduce_sum3A_85 = arith.constant dense<0.000000e+00> : vector<16xf32>
    %reduce_sum3A_86 = vector.multi_reduction <add>, %slice3A_42, %reduce_sum3A_85 [0] : vector<6400x16xf32> to vector<16xf32>
    %broadcast_in_dim3A_87 = vector.shape_cast %reduce_sum3A_86 : vector<16xf32> to vector<1x16xf32>
    %mul3A_88 = arith.mulf %slice3A_42, %slice3A_42 : vector<6400x16xf32>
    %reduce_sum3A_89 = arith.constant dense<0.000000e+00> : vector<16xf32>
    %reduce_sum3A_90 = vector.multi_reduction <add>, %mul3A_88, %reduce_sum3A_89 [0] : vector<6400x16xf32> to vector<16xf32>
    %broadcast_in_dim3A_91 = vector.shape_cast %reduce_sum3A_90 : vector<16xf32> to vector<1x16xf32>
    %concatenate3A_92 = tpu.concatenate %broadcast_in_dim3A_87, %broadcast_in_dim3A_91 in 1 : vector<1x16xf32>, vector<1x16xf32> -> vector<1x32xf32>
    %broadcast_in_dim3A_93 = vector.shape_cast %concatenate3A_92 : vector<1x32xf32> to vector<1x32xf32>
    %broadcast_in_dim3A_94 = vector.broadcast %broadcast_in_dim3A_93 : vector<1x32xf32> to vector<8x32xf32>
    %eq3A_95 = arith.constant 0 : i32
    %eq3A_96 = arith.cmpi eq, %arg0, %eq3A_95 : i32
    %convert_element_type3A_97 = arith.extui %eq3A_96 : i1 to i32
    %cond3A_98 = arith.constant 0 : i32
    %cond3A_99 = arith.cmpi ne, %convert_element_type3A_97, %cond3A_98 : i32
    scf.if %cond3A_99 {
      %swap3A_105 = arith.constant 0 : index
      %swap3A_106 = arith.constant 0 : index
      %swap3A_107 = vector.load %arg12[%swap3A_105, %swap3A_106] : memref<8x32xf32, #tpu.memory_space<vmem>>, vector<8x32xf32>
      tpu.vector_store %arg12[%swap3A_105, %swap3A_106], %broadcast_in_dim3A_94 {strides = array<i32>} : memref<8x32xf32, #tpu.memory_space<vmem>>, vector<8x32xf32>,
    } else {
    }
    %gt3A_100 = arith.constant 0 : i32
    %gt3A_101 = arith.cmpi sgt, %arg0, %gt3A_100 : i32
    %convert_element_type3A_102 = arith.extui %gt3A_101 : i1 to i32
    %cond3A_103 = arith.constant 0 : i32
    %cond3A_104 = arith.cmpi ne, %convert_element_type3A_102, %cond3A_103 : i32
    scf.if %cond3A_104 {
      %get3A_105 = arith.constant 0 : index
      %get3A_106 = arith.constant 0 : index
      %get3A_107 = vector.load %arg12[%get3A_105, %get3A_106] : memref<8x32xf32, #tpu.memory_space<vmem>>, vector<8x32xf32>
      %add3A_108 = arith.addf %get3A_107, %broadcast_in_dim3A_94 : vector<8x32xf32>
      %swap3A_109 = arith.constant 0 : index
      %swap3A_110 = arith.constant 0 : index
      %swap3A_111 = vector.load %arg12[%swap3A_109, %swap3A_110] : memref<8x32xf32, #tpu.memory_space<vmem>>, vector<8x32xf32>
      tpu.vector_store %arg12[%swap3A_109, %swap3A_110], %add3A_108 {strides = array<i32>} : memref<8x32xf32, #tpu.memory_space<vmem>>, vector<8x32xf32>,
    } else {
    }
    return
  }
  func.func @transform_0(%arg0: i32) -> (i32, i32) {
    %c0_i32 = arith.constant 0 : i32
    %c0_i32_0 = arith.constant 0 : i32
    return %arg0, %c0_i32 : i32, i32
  }
  func.func @transform_1(%arg0: i32) -> (i32, i32) {
    %c0_i32 = arith.constant 0 : i32
    %c0_i32_0 = arith.constant 0 : i32
    return %arg0, %c0_i32 : i32, i32
  }
  func.func @transform_2(%arg0: i32) -> (i32, i32) {
    %c0_i32 = arith.constant 0 : i32
    %c0_i32_0 = arith.constant 0 : i32
    %c0_i32_1 = arith.constant 0 : i32
    return %c0_i32, %c0_i32_0 : i32, i32
  }
  func.func @transform_3(%arg0: i32) -> (i32, i32) {
    %c0_i32 = arith.constant 0 : i32
    %c0_i32_0 = arith.constant 0 : i32
    %c0_i32_1 = arith.constant 0 : i32
    return %c0_i32, %c0_i32_0 : i32, i32
  }
  func.func @transform_4(%arg0: i32) -> (i32, i32) {
    %c0_i32 = arith.constant 0 : i32
    %c0_i32_0 = arith.constant 0 : i32
    %c0_i32_1 = arith.constant 0 : i32
    return %c0_i32, %c0_i32_0 : i32, i32
  }
  func.func @transform_5(%arg0: i32) -> (i32, i32) {
    %c0_i32 = arith.constant 0 : i32
    %c0_i32_0 = arith.constant 0 : i32
    %c0_i32_1 = arith.constant 0 : i32
    return %c0_i32, %c0_i32_0 : i32, i32
  }
  func.func @transform_6(%arg0: i32) -> (i32, i32) {
    %c0_i32 = arith.constant 0 : i32
    %c0_i32_0 = arith.constant 0 : i32
    %c0_i32_1 = arith.constant 0 : i32
    return %c0_i32, %c0_i32_0 : i32, i32
  }
  func.func @transform_7(%arg0: i32) -> (i32, i32) {
    %c0_i32 = arith.constant 0 : i32
    %c0_i32_0 = arith.constant 0 : i32
    %c0_i32_1 = arith.constant 0 : i32
    return %c0_i32, %c0_i32_0 : i32, i32
  }
  func.func @transform_8(%arg0: i32) -> (i32, i32) {
    %c0_i32 = arith.constant 0 : i32
    %c0_i32_0 = arith.constant 0 : i32
    return %arg0, %c0_i32 : i32, i32
  }
  func.func @transform_9(%arg0: i32) -> (i32, i32) {
    %c0_i32 = arith.constant 0 : i32
    %c0_i32_0 = arith.constant 0 : i32
    return %arg0, %c0_i32 : i32, i32
  }
  func.func @transform_10(%arg0: i32) -> (i32, i32) {
    %c0_i32 = arith.constant 0 : i32
    %c0_i32_0 = arith.constant 0 : i32
    %c0_i32_1 = arith.constant 0 : i32
    return %c0_i32, %c0_i32_0 : i32, i32
  }
  func.func @transform_11(%arg0: i32) -> (i32, i32) {
    %c0_i32 = arith.constant 0 : i32
    %c0_i32_0 = arith.constant 0 : i32
    %c0_i32_1 = arith.constant 0 : i32
    return %c0_i32, %c0_i32_0 : i32, i32
  }
}

module attributes {stable_mosaic.version = 14 : i64} {
  func.func @_tc3_body(%arg0: i32, %arg1: memref<6400x16xf32, #tpu.memory_space<vmem>>, %arg2: memref<6400x16xf32, #tpu.memory_space<vmem>>, %arg3: memref<8x32xf32, #tpu.memory_space<vmem>>, %arg4: memref<2x16xf32, #tpu.memory_space<vmem>>, %arg5: memref<8x32xf32, #tpu.memory_space<vmem>>, %arg6: memref<2x16xf32, #tpu.memory_space<vmem>>, %arg7: memref<32x32xf32, #tpu.memory_space<vmem>>, %arg8: memref<8x32xf32, #tpu.memory_space<vmem>>, %arg9: memref<32x32xf32, #tpu.memory_space<vmem>>, %arg10: memref<8x32xf32, #tpu.memory_space<vmem>>, %arg11: memref<400x32xf32, #tpu.memory_space<vmem>>, %arg12: memref<8x64xf32, #tpu.memory_space<vmem>>) attributes {dimension_semantics = [#tpu.dimension_semantics<arbitrary>], iteration_bounds = array<i64: 125>, scalar_prefetch = 0 : i64, scratch_operands = 0 : i64, tpu.core_type = #tpu.core_type<tc>, window_params = [{transform_indices = @transform_0, window_bounds = array<i64: 6400, 16>}, {transform_indices = @transform_1, window_bounds = array<i64: 6400, 16>}, {pipeline_mode = #tpu.pipeline_mode<synchronous>, transform_indices = @transform_2, window_bounds = array<i64: 8, 32>}, {pipeline_mode = #tpu.pipeline_mode<synchronous>, transform_indices = @transform_3, window_bounds = array<i64: 2, 16>}, {pipeline_mode = #tpu.pipeline_mode<synchronous>, transform_indices = @transform_4, window_bounds = array<i64: 8, 32>}, {pipeline_mode = #tpu.pipeline_mode<synchronous>, transform_indices = @transform_5, window_bounds = array<i64: 2, 16>}, {pipeline_mode = #tpu.pipeline_mode<synchronous>, transform_indices = @transform_6, window_bounds = array<i64: 32, 32>}, {pipeline_mode = #tpu.pipeline_mode<synchronous>, transform_indices = @transform_7, window_bounds = array<i64: 8, 32>}, {pipeline_mode = #tpu.pipeline_mode<synchronous>, transform_indices = @transform_8, window_bounds = array<i64: 32, 32>}, {pipeline_mode = #tpu.pipeline_mode<synchronous>, transform_indices = @transform_9, window_bounds = array<i64: 8, 32>}, {transform_indices = @transform_10, window_bounds = array<i64: 400, 32>}, {pipeline_mode = #tpu.pipeline_mode<synchronous>, transform_indices = @transform_11, window_bounds = array<i64: 8, 64>}]} {
    %get3A = arith.constant 0 : index
    %get3A_0 = arith.constant 0 : index
    %get3A_1 = vector.load %arg3[%get3A, %get3A_0] : memref<8x32xf32, #tpu.memory_space<vmem>>, vector<8x32xf32>
    %get3A_2 = arith.constant 0 : index
    %get3A_3 = arith.constant 0 : index
    %get3A_4 = vector.load %arg4[%get3A_2, %get3A_3] : memref<2x16xf32, #tpu.memory_space<vmem>>, vector<1x16xf32>
    %get3A_5 = arith.constant 1 : index
    %get3A_6 = arith.constant 0 : index
    %get3A_7 = vector.load %arg4[%get3A_5, %get3A_6] : memref<2x16xf32, #tpu.memory_space<vmem>>, vector<1x16xf32>
    %slice3A = vector.extract_strided_slice %get3A_1 {offsets = [0, 0], sizes = [1, 16], strides = [1, 1]} : vector<8x32xf32> to vector<1x16xf32>
    %slice3A_8 = vector.extract_strided_slice %get3A_1 {offsets = [0, 16], sizes = [1, 16], strides = [1, 1]} : vector<8x32xf32> to vector<1x16xf32>
    %div3A = arith.constant 8.000000e+05 : f32
    %div3A_9 = vector.broadcast %div3A : f32 to vector<1x16xf32>
    %div3A_10 = arith.divf %slice3A, %div3A_9 : vector<1x16xf32>
    %div3A_11 = arith.constant 8.000000e+05 : f32
    %div3A_12 = vector.broadcast %div3A_11 : f32 to vector<1x16xf32>
    %div3A_13 = arith.divf %slice3A_8, %div3A_12 : vector<1x16xf32>
    %mul3A = arith.mulf %div3A_10, %div3A_10 : vector<1x16xf32>
    %sub3A = arith.subf %div3A_13, %mul3A : vector<1x16xf32>
    %add3A = arith.constant 9.99999974E-6 : f32
    %add3A_14 = vector.broadcast %add3A : f32 to vector<1x16xf32>
    %add3A_15 = arith.addf %sub3A, %add3A_14 : vector<1x16xf32>
    %sqrt3A = math.sqrt %add3A_15 : vector<1x16xf32>
    %div3A_16 = arith.divf %get3A_4, %sqrt3A : vector<1x16xf32>
    %mul3A_17 = arith.mulf %div3A_10, %div3A_16 : vector<1x16xf32>
    %sub3A_18 = arith.subf %get3A_7, %mul3A_17 : vector<1x16xf32>
    %get3A_19 = arith.constant 0 : index
    %get3A_20 = arith.constant 0 : index
    %get3A_21 = vector.load %arg5[%get3A_19, %get3A_20] : memref<8x32xf32, #tpu.memory_space<vmem>>, vector<8x32xf32>
    %get3A_22 = arith.constant 0 : index
    %get3A_23 = arith.constant 0 : index
    %get3A_24 = vector.load %arg6[%get3A_22, %get3A_23] : memref<2x16xf32, #tpu.memory_space<vmem>>, vector<1x16xf32>
    %get3A_25 = arith.constant 1 : index
    %get3A_26 = arith.constant 0 : index
    %get3A_27 = vector.load %arg6[%get3A_25, %get3A_26] : memref<2x16xf32, #tpu.memory_space<vmem>>, vector<1x16xf32>
    %slice3A_28 = vector.extract_strided_slice %get3A_21 {offsets = [0, 0], sizes = [1, 16], strides = [1, 1]} : vector<8x32xf32> to vector<1x16xf32>
    %slice3A_29 = vector.extract_strided_slice %get3A_21 {offsets = [0, 16], sizes = [1, 16], strides = [1, 1]} : vector<8x32xf32> to vector<1x16xf32>
    %div3A_30 = arith.constant 5.000000e+04 : f32
    %div3A_31 = vector.broadcast %div3A_30 : f32 to vector<1x16xf32>
    %div3A_32 = arith.divf %slice3A_28, %div3A_31 : vector<1x16xf32>
    %div3A_33 = arith.constant 5.000000e+04 : f32
    %div3A_34 = vector.broadcast %div3A_33 : f32 to vector<1x16xf32>
    %div3A_35 = arith.divf %slice3A_29, %div3A_34 : vector<1x16xf32>
    %mul3A_36 = arith.mulf %div3A_32, %div3A_32 : vector<1x16xf32>
    %sub3A_37 = arith.subf %div3A_35, %mul3A_36 : vector<1x16xf32>
    %add3A_38 = arith.constant 9.99999974E-6 : f32
    %add3A_39 = vector.broadcast %add3A_38 : f32 to vector<1x16xf32>
    %add3A_40 = arith.addf %sub3A_37, %add3A_39 : vector<1x16xf32>
    %sqrt3A_41 = math.sqrt %add3A_40 : vector<1x16xf32>
    %div3A_42 = arith.divf %get3A_24, %sqrt3A_41 : vector<1x16xf32>
    %mul3A_43 = arith.mulf %div3A_32, %div3A_42 : vector<1x16xf32>
    %sub3A_44 = arith.subf %get3A_27, %mul3A_43 : vector<1x16xf32>
    %get3A_45 = arith.constant 0 : index
    %get3A_46 = arith.constant 0 : index
    %get3A_47 = vector.load %arg1[%get3A_45, %get3A_46] : memref<6400x16xf32, #tpu.memory_space<vmem>>, vector<6400x16xf32>
    %mul3A_48 = vector.broadcast %div3A_16 : vector<1x16xf32> to vector<6400x16xf32>
    %mul3A_49 = arith.mulf %get3A_47, %mul3A_48 : vector<6400x16xf32>
    %add3A_50 = vector.broadcast %sub3A_18 : vector<1x16xf32> to vector<6400x16xf32>
    %add3A_51 = arith.addf %mul3A_49, %add3A_50 : vector<6400x16xf32>
    %max3A = arith.constant 0.000000e+00 : f32
    %max3A_52 = vector.broadcast %max3A : f32 to vector<6400x16xf32>
    %max3A_53 = arith.maximumf %add3A_51, %max3A_52 : vector<6400x16xf32>
    %get3A_54 = arith.constant 0 : index
    %get3A_55 = arith.constant 0 : index
    %get3A_56 = vector.load %arg2[%get3A_54, %get3A_55] : memref<6400x16xf32, #tpu.memory_space<vmem>>, vector<6400x16xf32>
    %mul3A_57 = vector.broadcast %div3A_42 : vector<1x16xf32> to vector<6400x16xf32>
    %mul3A_58 = arith.mulf %get3A_56, %mul3A_57 : vector<6400x16xf32>
    %add3A_59 = vector.broadcast %sub3A_44 : vector<1x16xf32> to vector<6400x16xf32>
    %add3A_60 = arith.addf %mul3A_58, %add3A_59 : vector<6400x16xf32>
    %max3A_61 = arith.constant 0.000000e+00 : f32
    %max3A_62 = vector.broadcast %max3A_61 : f32 to vector<6400x16xf32>
    %max3A_63 = arith.maximumf %add3A_60, %max3A_62 : vector<6400x16xf32>
    %concatenate3A = tpu.concatenate %max3A_63, %max3A_53 in 1 : vector<6400x16xf32>, vector<6400x16xf32> -> vector<6400x32xf32>
    %get3A_64 = arith.constant 0 : index
    %get3A_65 = arith.constant 0 : index
    %get3A_66 = vector.load %arg7[%get3A_64, %get3A_65] : memref<32x32xf32, #tpu.memory_space<vmem>>, vector<32x32xf32>
    %dot_general3A = arith.constant dense<0.000000e+00> : vector<6400x32xf32>
    %dot_general3A_67 = tpu.matmul %concatenate3A, %get3A_66, %dot_general3A {dimension_numbers = #tpu.dot_dimension_numbers<[1], [0], [0], [1], [0, 0, 1, 1], [], []>, transpose_lhs_hint = false} : vector<6400x32xf32>, vector<32x32xf32>, vector<6400x32xf32> -> vector<6400x32xf32>
    %get3A_68 = arith.constant 0 : index
    %get3A_69 = arith.constant 0 : index
    %get3A_70 = vector.load %arg8[%get3A_68, %get3A_69] : memref<8x32xf32, #tpu.memory_space<vmem>>, vector<1x32xf32>
    %add3A_71 = vector.broadcast %get3A_70 : vector<1x32xf32> to vector<6400x32xf32>
    %add3A_72 = arith.addf %dot_general3A_67, %add3A_71 : vector<6400x32xf32>
    %reshape3A = vector.shape_cast %add3A_72 : vector<6400x32xf32> to vector<400x16x32xf32>
    %reshape3A_73 = vector.shape_cast %concatenate3A : vector<6400x32xf32> to vector<400x16x32xf32>
    %reduce_max3A = arith.constant dense<0xFF800000> : vector<400x32xf32>
    %reduce_max3A_74 = vector.multi_reduction <maximumf>, %reshape3A, %reduce_max3A [1] : vector<400x16x32xf32> to vector<400x32xf32>
    %broadcast_in_dim3A = vector.shape_cast %reduce_max3A_74 : vector<400x32xf32> to vector<400x1x32xf32>
    %sub3A_75 = vector.broadcast %broadcast_in_dim3A : vector<400x1x32xf32> to vector<400x16x32xf32>
    %sub3A_76 = arith.subf %reshape3A, %sub3A_75 : vector<400x16x32xf32>
    %exp3A = math.exp %sub3A_76 : vector<400x16x32xf32>
    %reduce_sum3A = arith.constant dense<0.000000e+00> : vector<400x32xf32>
    %reduce_sum3A_77 = vector.multi_reduction <add>, %exp3A, %reduce_sum3A [1] : vector<400x16x32xf32> to vector<400x32xf32>
    %broadcast_in_dim3A_78 = vector.shape_cast %reduce_sum3A_77 : vector<400x32xf32> to vector<400x1x32xf32>
    %div3A_79 = vector.broadcast %broadcast_in_dim3A_78 : vector<400x1x32xf32> to vector<400x16x32xf32>
    %div3A_80 = arith.divf %exp3A, %div3A_79 : vector<400x16x32xf32>
    %mul3A_81 = arith.mulf %reshape3A_73, %div3A_80 : vector<400x16x32xf32>
    %reduce_sum3A_82 = arith.constant dense<0.000000e+00> : vector<400x32xf32>
    %reduce_sum3A_83 = vector.multi_reduction <add>, %mul3A_81, %reduce_sum3A_82 [1] : vector<400x16x32xf32> to vector<400x32xf32>
    %get3A_84 = arith.constant 0 : index
    %get3A_85 = arith.constant 0 : index
    %get3A_86 = vector.load %arg9[%get3A_84, %get3A_85] : memref<32x32xf32, #tpu.memory_space<vmem>>, vector<32x32xf32>
    %dot_general3A_87 = arith.constant dense<0.000000e+00> : vector<400x32xf32>
    %dot_general3A_88 = tpu.matmul %reduce_sum3A_83, %get3A_86, %dot_general3A_87 {dimension_numbers = #tpu.dot_dimension_numbers<[1], [0], [0], [1], [0, 0, 1, 1], [], []>, transpose_lhs_hint = false} : vector<400x32xf32>, vector<32x32xf32>, vector<400x32xf32> -> vector<400x32xf32>
    %get3A_89 = arith.constant 0 : index
    %get3A_90 = arith.constant 0 : index
    %get3A_91 = vector.load %arg10[%get3A_89, %get3A_90] : memref<8x32xf32, #tpu.memory_space<vmem>>, vector<1x32xf32>
    %add3A_92 = vector.broadcast %get3A_91 : vector<1x32xf32> to vector<400x32xf32>
    %add3A_93 = arith.addf %dot_general3A_88, %add3A_92 : vector<400x32xf32>
    %swap3A = arith.constant 0 : index
    %swap3A_94 = arith.constant 0 : index
    %swap3A_95 = vector.load %arg11[%swap3A, %swap3A_94] : memref<400x32xf32, #tpu.memory_space<vmem>>, vector<400x32xf32>
    tpu.vector_store %arg11[%swap3A, %swap3A_94], %add3A_93 {strides = array<i32>} : memref<400x32xf32, #tpu.memory_space<vmem>>, vector<400x32xf32>,
    %reduce_sum3A_96 = arith.constant dense<0.000000e+00> : vector<32xf32>
    %reduce_sum3A_97 = vector.multi_reduction <add>, %add3A_93, %reduce_sum3A_96 [0] : vector<400x32xf32> to vector<32xf32>
    %broadcast_in_dim3A_98 = vector.shape_cast %reduce_sum3A_97 : vector<32xf32> to vector<1x32xf32>
    %mul3A_99 = arith.mulf %add3A_93, %add3A_93 : vector<400x32xf32>
    %reduce_sum3A_100 = arith.constant dense<0.000000e+00> : vector<32xf32>
    %reduce_sum3A_101 = vector.multi_reduction <add>, %mul3A_99, %reduce_sum3A_100 [0] : vector<400x32xf32> to vector<32xf32>
    %broadcast_in_dim3A_102 = vector.shape_cast %reduce_sum3A_101 : vector<32xf32> to vector<1x32xf32>
    %concatenate3A_103 = tpu.concatenate %broadcast_in_dim3A_98, %broadcast_in_dim3A_102 in 1 : vector<1x32xf32>, vector<1x32xf32> -> vector<1x64xf32>
    %broadcast_in_dim3A_104 = vector.shape_cast %concatenate3A_103 : vector<1x64xf32> to vector<1x64xf32>
    %broadcast_in_dim3A_105 = vector.broadcast %broadcast_in_dim3A_104 : vector<1x64xf32> to vector<8x64xf32>
    %eq3A = arith.constant 0 : i32
    %eq3A_106 = arith.cmpi eq, %arg0, %eq3A : i32
    %convert_element_type3A = arith.extui %eq3A_106 : i1 to i32
    %cond3A = arith.constant 0 : i32
    %cond3A_107 = arith.cmpi ne, %convert_element_type3A, %cond3A : i32
    scf.if %cond3A_107 {
      %swap3A_112 = arith.constant 0 : index
      %swap3A_113 = arith.constant 0 : index
      %swap3A_114 = vector.load %arg12[%swap3A_112, %swap3A_113] : memref<8x64xf32, #tpu.memory_space<vmem>>, vector<8x64xf32>
      tpu.vector_store %arg12[%swap3A_112, %swap3A_113], %broadcast_in_dim3A_105 {strides = array<i32>} : memref<8x64xf32, #tpu.memory_space<vmem>>, vector<8x64xf32>,
    } else {
    }
    %gt3A = arith.constant 0 : i32
    %gt3A_108 = arith.cmpi sgt, %arg0, %gt3A : i32
    %convert_element_type3A_109 = arith.extui %gt3A_108 : i1 to i32
    %cond3A_110 = arith.constant 0 : i32
    %cond3A_111 = arith.cmpi ne, %convert_element_type3A_109, %cond3A_110 : i32
    scf.if %cond3A_111 {
      %get3A_112 = arith.constant 0 : index
      %get3A_113 = arith.constant 0 : index
      %get3A_114 = vector.load %arg12[%get3A_112, %get3A_113] : memref<8x64xf32, #tpu.memory_space<vmem>>, vector<8x64xf32>
      %add3A_115 = arith.addf %get3A_114, %broadcast_in_dim3A_105 : vector<8x64xf32>
      %swap3A_116 = arith.constant 0 : index
      %swap3A_117 = arith.constant 0 : index
      %swap3A_118 = vector.load %arg12[%swap3A_116, %swap3A_117] : memref<8x64xf32, #tpu.memory_space<vmem>>, vector<8x64xf32>
      tpu.vector_store %arg12[%swap3A_116, %swap3A_117], %add3A_115 {strides = array<i32>} : memref<8x64xf32, #tpu.memory_space<vmem>>, vector<8x64xf32>,
    } else {
    }
    return
  }
  func.func @transform_0(%arg0: i32) -> (i32, i32) {
    %c0_i32 = arith.constant 0 : i32
    %c0_i32_0 = arith.constant 0 : i32
    return %arg0, %c0_i32 : i32, i32
  }
  func.func @transform_1(%arg0: i32) -> (i32, i32) {
    %c0_i32 = arith.constant 0 : i32
    %c0_i32_0 = arith.constant 0 : i32
    return %arg0, %c0_i32 : i32, i32
  }
  func.func @transform_2(%arg0: i32) -> (i32, i32) {
    %c0_i32 = arith.constant 0 : i32
    %c0_i32_0 = arith.constant 0 : i32
    %c0_i32_1 = arith.constant 0 : i32
    return %c0_i32, %c0_i32_0 : i32, i32
  }
  func.func @transform_3(%arg0: i32) -> (i32, i32) {
    %c0_i32 = arith.constant 0 : i32
    %c0_i32_0 = arith.constant 0 : i32
    %c0_i32_1 = arith.constant 0 : i32
    return %c0_i32, %c0_i32_0 : i32, i32
  }
  func.func @transform_4(%arg0: i32) -> (i32, i32) {
    %c0_i32 = arith.constant 0 : i32
    %c0_i32_0 = arith.constant 0 : i32
    %c0_i32_1 = arith.constant 0 : i32
    return %c0_i32, %c0_i32_0 : i32, i32
  }
  func.func @transform_5(%arg0: i32) -> (i32, i32) {
    %c0_i32 = arith.constant 0 : i32
    %c0_i32_0 = arith.constant 0 : i32
    %c0_i32_1 = arith.constant 0 : i32
    return %c0_i32, %c0_i32_0 : i32, i32
  }
  func.func @transform_6(%arg0: i32) -> (i32, i32) {
    %c0_i32 = arith.constant 0 : i32
    %c0_i32_0 = arith.constant 0 : i32
    %c0_i32_1 = arith.constant 0 : i32
    return %c0_i32, %c0_i32_0 : i32, i32
  }
  func.func @transform_7(%arg0: i32) -> (i32, i32) {
    %c0_i32 = arith.constant 0 : i32
    %c0_i32_0 = arith.constant 0 : i32
    %c0_i32_1 = arith.constant 0 : i32
    return %c0_i32, %c0_i32_0 : i32, i32
  }
  func.func @transform_8(%arg0: i32) -> (i32, i32) {
    %c0_i32 = arith.constant 0 : i32
    %c0_i32_0 = arith.constant 0 : i32
    %c0_i32_1 = arith.constant 0 : i32
    return %c0_i32, %c0_i32_0 : i32, i32
  }
  func.func @transform_9(%arg0: i32) -> (i32, i32) {
    %c0_i32 = arith.constant 0 : i32
    %c0_i32_0 = arith.constant 0 : i32
    %c0_i32_1 = arith.constant 0 : i32
    return %c0_i32, %c0_i32_0 : i32, i32
  }
  func.func @transform_10(%arg0: i32) -> (i32, i32) {
    %c0_i32 = arith.constant 0 : i32
    %c0_i32_0 = arith.constant 0 : i32
    return %arg0, %c0_i32 : i32, i32
  }
  func.func @transform_11(%arg0: i32) -> (i32, i32) {
    %c0_i32 = arith.constant 0 : i32
    %c0_i32_0 = arith.constant 0 : i32
    %c0_i32_1 = arith.constant 0 : i32
    return %c0_i32, %c0_i32_0 : i32, i32
  }
}

module attributes {stable_mosaic.version = 14 : i64} {
  func.func @_tc4_body(%arg0: i32, %arg1: memref<50000x32xf32, #tpu.memory_space<vmem>>, %arg2: memref<8x64xf32, #tpu.memory_space<vmem>>, %arg3: memref<2x32xf32, #tpu.memory_space<vmem>>, %arg4: memref<32x50000xf32, #tpu.memory_space<vmem>>) attributes {dimension_semantics = [#tpu.dimension_semantics<arbitrary>], iteration_bounds = array<i64: 1>, scalar_prefetch = 0 : i64, scratch_operands = 0 : i64, tpu.core_type = #tpu.core_type<tc>, window_params = [{pipeline_mode = #tpu.pipeline_mode<synchronous>, transform_indices = @transform_0, window_bounds = array<i64: 50000, 32>}, {pipeline_mode = #tpu.pipeline_mode<synchronous>, transform_indices = @transform_1, window_bounds = array<i64: 8, 64>}, {pipeline_mode = #tpu.pipeline_mode<synchronous>, transform_indices = @transform_2, window_bounds = array<i64: 2, 32>}, {pipeline_mode = #tpu.pipeline_mode<synchronous>, transform_indices = @transform_3, window_bounds = array<i64: 32, 50000>}]} {
    %get3A = arith.constant 0 : index
    %get3A_0 = arith.constant 0 : index
    %get3A_1 = vector.load %arg2[%get3A, %get3A_0] : memref<8x64xf32, #tpu.memory_space<vmem>>, vector<8x64xf32>
    %get3A_2 = arith.constant 0 : index
    %get3A_3 = arith.constant 0 : index
    %get3A_4 = vector.load %arg3[%get3A_2, %get3A_3] : memref<2x32xf32, #tpu.memory_space<vmem>>, vector<1x32xf32>
    %get3A_5 = arith.constant 1 : index
    %get3A_6 = arith.constant 0 : index
    %get3A_7 = vector.load %arg3[%get3A_5, %get3A_6] : memref<2x32xf32, #tpu.memory_space<vmem>>, vector<1x32xf32>
    %slice3A = vector.extract_strided_slice %get3A_1 {offsets = [0, 0], sizes = [1, 32], strides = [1, 1]} : vector<8x64xf32> to vector<1x32xf32>
    %slice3A_8 = vector.extract_strided_slice %get3A_1 {offsets = [0, 32], sizes = [1, 32], strides = [1, 1]} : vector<8x64xf32> to vector<1x32xf32>
    %div3A = arith.constant 5.000000e+04 : f32
    %div3A_9 = vector.broadcast %div3A : f32 to vector<1x32xf32>
    %div3A_10 = arith.divf %slice3A, %div3A_9 : vector<1x32xf32>
    %div3A_11 = arith.constant 5.000000e+04 : f32
    %div3A_12 = vector.broadcast %div3A_11 : f32 to vector<1x32xf32>
    %div3A_13 = arith.divf %slice3A_8, %div3A_12 : vector<1x32xf32>
    %mul3A = arith.mulf %div3A_10, %div3A_10 : vector<1x32xf32>
    %sub3A = arith.subf %div3A_13, %mul3A : vector<1x32xf32>
    %add3A = arith.constant 9.99999974E-6 : f32
    %add3A_14 = vector.broadcast %add3A : f32 to vector<1x32xf32>
    %add3A_15 = arith.addf %sub3A, %add3A_14 : vector<1x32xf32>
    %sqrt3A = math.sqrt %add3A_15 : vector<1x32xf32>
    %div3A_16 = arith.divf %get3A_4, %sqrt3A : vector<1x32xf32>
    %mul3A_17 = arith.mulf %div3A_10, %div3A_16 : vector<1x32xf32>
    %sub3A_18 = arith.subf %get3A_7, %mul3A_17 : vector<1x32xf32>
    %get3A_19 = arith.constant 0 : index
    %get3A_20 = arith.constant 0 : index
    %get3A_21 = vector.load %arg1[%get3A_19, %get3A_20] : memref<50000x32xf32, #tpu.memory_space<vmem>>, vector<50000x32xf32>
    %mul3A_22 = vector.broadcast %div3A_16 : vector<1x32xf32> to vector<50000x32xf32>
    %mul3A_23 = arith.mulf %get3A_21, %mul3A_22 : vector<50000x32xf32>
    %add3A_24 = vector.broadcast %sub3A_18 : vector<1x32xf32> to vector<50000x32xf32>
    %add3A_25 = arith.addf %mul3A_23, %add3A_24 : vector<50000x32xf32>
    %max3A = arith.constant 0.000000e+00 : f32
    %max3A_26 = vector.broadcast %max3A : f32 to vector<50000x32xf32>
    %max3A_27 = arith.maximumf %add3A_25, %max3A_26 : vector<50000x32xf32>
    %transpose3A = tpu.transpose %max3A_27, [1, 0] : vector<50000x32xf32> -> vector<32x50000xf32>
    %swap3A = arith.constant 0 : index
    %swap3A_28 = arith.constant 0 : index
    %swap3A_29 = vector.load %arg4[%swap3A, %swap3A_28] : memref<32x50000xf32, #tpu.memory_space<vmem>>, vector<32x50000xf32>
    tpu.vector_store %arg4[%swap3A, %swap3A_28], %transpose3A {strides = array<i32>} : memref<32x50000xf32, #tpu.memory_space<vmem>>, vector<32x50000xf32>,
    return
  }
  func.func @transform_0(%arg0: i32) -> (i32, i32) {
    %c0_i32 = arith.constant 0 : i32
    %c0_i32_0 = arith.constant 0 : i32
    %c0_i32_1 = arith.constant 0 : i32
    return %c0_i32, %c0_i32_0 : i32, i32
  }
  func.func @transform_1(%arg0: i32) -> (i32, i32) {
    %c0_i32 = arith.constant 0 : i32
    %c0_i32_0 = arith.constant 0 : i32
    %c0_i32_1 = arith.constant 0 : i32
    return %c0_i32, %c0_i32_0 : i32, i32
  }
  func.func @transform_2(%arg0: i32) -> (i32, i32) {
    %c0_i32 = arith.constant 0 : i32
    %c0_i32_0 = arith.constant 0 : i32
    %c0_i32_1 = arith.constant 0 : i32
    return %c0_i32, %c0_i32_0 : i32, i32
  }
  func.func @transform_3(%arg0: i32) -> (i32, i32) {
    %c0_i32 = arith.constant 0 : i32
    %c0_i32_0 = arith.constant 0 : i32
    %c0_i32_1 = arith.constant 0 : i32
    return %c0_i32, %c0_i32_0 : i32, i32
  }
}

</mosaic_0001>

<sc_bundles>
// kernel: kernel.11.cloned.1.call-start
scs
__scs_entry_jumppad:
0x0: {  	(pc) =	sbr.rel $0x88, $3  }
0x1: {  	(tag) =	ssettag $0x0;
	lr =	simm.s32 $0x1  }
0x2: {  	[smem:$0x3F8A] =	sst lr;
	_ =	strace $0xD0000000  }
0x3: {  	_ = 	snop  }
0x4: {  	_ = 	snop  }
0x5: {  	_ = 	snop  }
0x6: {  	_ = 	snop  }
0x7: {  	_ = 	snop  }
__scs_overlays_trampoline_lowered:
0x8: {  	[smem:$0x3F99] =	sst s0  }
0x9: {  	[smem:$0x3F9A] =	sst s1  }
0xa: {  	[smem:$0x3F9B] =	sst s2  }
0xb: {  	[smem:$0x3F9C] =	sst s3  }
0xc: {  	[smem:$0x3F9D] =	sst s4  }
0xd: {  	[smem:$0x3F9E] =	sst s5  }
0xe: {  	[smem:$0x3F9F] =	sst s6  }
0xf: {  	[smem:$0x3FA0] =	sst s7  }
0x10: {  	[smem:$0x3FA1] =	sst s8  }
0x11: {  	[smem:$0x3FA2] =	sst s9;
	s0 =	simm.s32 @!p0 $0x0  }
0x12: {  	s1 =	sld [smem:$0x3F88];
	s0 =	simm.s32 @p0 $0x1  }
0x13: {  	[smem:$0x3FA3] =	sst s0;
	s0 =	simm.s32 @!p1 $0x0  }
0x14: {  	s2 =	sld [smem:$0x3F87];
	s0 =	simm.s32 @p1 $0x1  }
0x15: {  	[smem:$0x3FA4] =	sst s0;
	s0 =	simm.s32 @!p2 $0x0  }
0x16: {  	s3 =	sld [smem:$0x3FDB];
	s0 =	simm.s32 @p2 $0x1  }
0x17: {  	s4 =	simm.s32 $0x1BF5;
	[smem:$0x3FA6] =	sst s0  }
0x18: {  	s0 =	sld [smem:$0x3F89];
	_ =	swait.ge [sflag:s4], $0x0  }
0x19: {  	s7 =	sld [smem:$0x3F8A]  }
0x1a: {  	s8 =	sadd.s32 $0xFFFFE003, lr  }
0x1b: {  	s9 =	sadd.s32 $0xFFFFFEF7, lr;
	s5 =	simm.s32 $0xFFFFFFFF;
	p2 =	slt.u32 s8, $0xFFFFF086  }
0x1c: {  	p1 =	slt.u32 s9, $0xF7A;
	s5 =	simm.s32 @!p2 $0x0  }
0x1d: {  	s5 =	simm.s32 @p1 $0x1;
	p0 =	seq.s32 s7, s2  }
0x1e: {  	s7 =	smul.u32 @!p0 $0xF7A, s2;
	p2 =	seq.s32 @!p0 s5, $0x0  }
0x1f: {  	s9 =	smul.u32 $0xF7A, s1;
	s8 =	simm.s32 @!p0 $0x1BF5;
	p2 =	por !p2, p0  }
0x20: {  	[sflag:s8] =	ssyncset.s32 @!p0 $0xFFFFF086;
	s6 =	sadd.s32 @!p0 s3, s7;
	s7 =	simm.s32 @!p0 $0x108  }
0x21: {  	s3 =	sadd.s32 s3, s9;
	s6 =	sadd.s32 @!p0 $0x88, s6;
	s7 =	simm.s32 @p2 $0x1082  }
0x22: {  	[simem:s7], [sflag:s8] =	dma.local @!p0 [hbm:s6], $0xF7A  }
0x23: {  	s9 =	sor.u32 $0xD0000000, s2;
	s6 =	simm.s32 $0x108;
	_ =	swait.ge @!p0 [sflag:s8], $0x0  }
0x24: {  	s3 =	sadd.s32 $0x88, s3;
	s6 =	simm.s32 @!p1 $0x1082;
	[sflag:s4] =	ssyncset.s32 $0xFFFFF086  }
0x25: {  	[simem:s6], [sflag:s4] =	dma.local [hbm:s3], $0xF7A  }
0x26: {  	[smem:$0x3F8A] =	sst s1;
	(tag) =	ssettag s2;
	_ =	strace s9  }
0x27: {  	s1 =	sld [smem:$0x3F9A]  }
0x28: {  	s2 =	sld [smem:$0x3F9B]  }
0x29: {  	s4 =	sld [smem:$0x3F9D]  }
0x2a: {  	p0 =	seq.s32 s5, $0x0;
	s5 =	sld [smem:$0x3F9E]  }
0x2b: {  	s6 =	sld [smem:$0x3F9F]  }
0x2c: {  	s7 =	sld [smem:$0x3FA0]  }
0x2d: {  	s3 =	simm.s32 $0x108;
	s8 =	sld [smem:$0x3FA1]  }
0x2e: {  	s3 =	simm.s32 @!p0 $0x1082;
	s9 =	sld [smem:$0x3FA2]  }
0x2f: {  	lr =	sadd.s32 s0, s3;
	s0 =	sld [smem:$0x3F99]  }
0x30: {  	s3 =	sld [smem:$0x3F9C]  }
0x31: {  	[smem:$0x3FA5] =	sst s10  }
0x32: {  	s10 =	sld [smem:$0x3FA3];
	_ =	sdelay $0x3  }
0x33: {  	p0 =	seq.s32 s10, $0x1;
	s10 =	sld [smem:$0x3FA5];
	_ =	sdelay $0x3  }
0x34: {  	[smem:$0x3FA5] =	sst s10  }
0x35: {  	s10 =	sld [smem:$0x3FA4];
	_ =	sdelay $0x3  }
0x36: {  	p1 =	seq.s32 s10, $0x1;
	s10 =	sld [smem:$0x3FA5];
	_ =	sdelay $0x3  }
0x37: {  	[smem:$0x3FA5] =	sst s10  }
0x38: {  	s10 =	sld [smem:$0x3FA6]  }
0x39: {  	_ = 	snop;
	(pc) =	sbr.ind lr, $3  }
0x3a: {  	_ = 	snop  }
0x3b: {  	_ = 	snop  }
0x3c: {  	p2 =	seq.s32 s10, $0x1;
	s10 =	sld [smem:$0x3FA5]  }
0x3d: {  	_ =	shalt  }
0x3e: {  	_ =	shalt  }
0x3f: {  	_ =	shalt  }
0x40: {  	_ =	shalt  }
0x41: {  	_ =	shalt  }
0x42: {  	_ =	shalt  }
0x43: {  	_ =	shalt  }
0x44: {  	_ =	shalt  }
0x45: {  	_ =	shalt  }
0x46: {  	_ =	shalt  }
0x47: {  	_ =	shalt  }
0x48: {  	_ =	shalt  }
0x49: {  	_ =	shalt  }
0x4a: {  	_ =	shalt  }
0x4b: {  	_ =	shalt  }
0x4c: {  	_ =	shalt  }
0x4d: {  	_ =	shalt  }
0x4e: {  	_ =	shalt  }
0x4f: {  	_ =	shalt  }
0x50: {  	_ =	shalt  }
0x51: {  	_ =	shalt  }
0x52: {  	_ =	shalt  }
0x53: {  	_ =	shalt  }
0x54: {  	_ =	shalt  }
0x55: {  	_ =	shalt  }
0x56: {  	_ =	shalt  }
0x57: {  	_ =	shalt  }
0x58: {  	_ =	shalt  }
0x59: {  	_ =	shalt  }
0x5a: {  	_ =	shalt  }
0x5b: {  	_ =	shalt  }
0x5c: {  	_ =	shalt  }
0x5d: {  	_ =	shalt  }
0x5e: {  	_ =	shalt  }
0x5f: {  	_ =	shalt  }
0x60: {  	_ =	shalt  }
0x61: {  	_ =	shalt  }
0x62: {  	_ =	shalt  }
0x63: {  	_ =	shalt  }
0x64: {  	_ =	shalt  }
0x65: {  	_ =	shalt  }
0x66: {  	_ =	shalt  }
0x67: {  	_ =	shalt  }
0x68: {  	_ =	shalt  }
0x69: {  	_ =	shalt  }
0x6a: {  	_ =	shalt  }
0x6b: {  	_ =	shalt  }
0x6c: {  	_ =	shalt  }
0x6d: {  	_ =	shalt  }
0x6e: {  	_ =	shalt  }
0x6f: {  	_ =	shalt  }
0x70: {  	_ =	shalt  }
0x71: {  	_ =	shalt  }
0x72: {  	_ =	shalt  }
0x73: {  	_ =	shalt  }
0x74: {  	_ =	shalt  }
0x75: {  	_ =	shalt  }
0x76: {  	_ =	shalt  }
0x77: {  	_ =	shalt  }
0x78: {  	_ =	shalt  }
0x79: {  	_ =	shalt  }
0x7a: {  	_ =	shalt  }
0x7b: {  	_ =	shalt  }
0x7c: {  	_ =	shalt  }
0x7d: {  	_ =	shalt  }
0x7e: {  	_ =	shalt  }
0x7f: {  	_ =	shalt  }
0x80: {  	_ =	shalt  }
0x81: {  	_ =	shalt  }
0x82: {  	_ =	shalt  }
0x83: {  	_ =	shalt  }
0x84: {  	_ =	shalt  }
0x85: {  	_ =	shalt  }
0x86: {  	_ =	shalt  }
0x87: {  	_ =	shalt  }
.Lfunc_end0:
.L_simem_size_0:
called_computation.1_lowered:
.L_overlay_start_0:
0x88: {  	s2 =	sld [smem:$0x3FD9]  }
0x89: {  	s3 =	sld [smem:$0x3FFE];
	_ =	sdelay $0x1  }
0x8a: {  	s1 =	srdreg.scid  }
0x8b: {  	s0 =	sand.u32 $0x1, s1  }
0x8c: {  	s17 =	sshll.u32 s0, $0xA;
	s2 =	sadd.s32 s3, s2  }
0x8d: {  	s2 =	sadd.s32 s2, s17  }
0x8e: {  	[smem:$0x3FB1] =	sst s2  }
0x8f: {  	_ = 	snop  }
0x90: {  	s2 =	sld [smem:$0x3FD0];
	(tm) =	ssettm $0x1  }
0x91: {  	s18 =	sld [smem:$0x3FFB];
	_ =	sdelay $0x3  }
0x92: {  	_ =	strace s18  }
0x93: {  	s3 =	sld [smem:$0x3FFC];
	_ =	sdelay $0x3  }
0x94: {  	_ =	strace s3  }
0x95: {  	s3 =	sld [smem:$0x3FFD];
	_ =	sdelay $0x3  }
0x96: {  	_ =	strace s3  }
0x97: {  	_ =	strace $0x8FFFFFFF  }
0x98: {  	s19 =	sld [smem:$0x3FDB];
	_ =	sdelay $0x1  }
0x99: {  	s4 =	simm.s32 $_scs_section_size  }
0x9a: {  	s5 =	simm.s32 $_size__tile_overlayer_lowered;
	s6 =	simm.s32 $_tile_overlayer_lowered  }
0x9b: {  	s22 =	simm.s32 $0x1BFF;
	s21 =	sshll.u32 s6, $0x1;
	s3 =	sadd.s32 s4, s19  }
0x9c: {  	s7 =	simm.s32 $0x0;
	s20 =	sshll.u32 s5, $0x1;
	s5 =	sadd.s32 s21, s3  }
0x9d: {  	[timem:s7], [sflag:s22] =	dma.local [hbm:s5], s20  }
0x9e: {  	_ =	swait.ge [sflag:s22], s20  }
0x9f: {  	s4 =	ssub.s32 $0x0, s20;
	[sflag:s22] =	ssyncset.done $0x0  }
0xa0: {  	[sflag:s22] =	ssyncadd.s32 s4;
	_ =	sdelay $0x1  }
0xa1: {  	s23 =	simm.s32 $0x1B8B  }
0xa2: {  	_ =	swait.ge [sflag:s23], $0x1  }
0xa3: {  	[sflag:s23] =	ssyncset.done $0x0  }
0xa4: {  	s25 =	simm.s32 $0x1B8E;
	s24 =	sld [smem:$0x3FFE];
	[sflag:s23] =	ssyncadd.s32 $0xFFFFFFFF  }
0xa5: {  	s26 =	simm.s32 $execute0_lowered;
	[smem:$0x3FD2] =	sst s25  }
0xa6: {  	s5 =	sshll.u32 s26, $0x1;
	_ =	strace $0x80000049;
	[dreg:$0x1] =	wrdreg $0xFFFFFFFF  }
0xa7: {  	s28 =	simm.s32 $_size_execute0_lowered;
	s3 =	sadd.s32 s3, s5;
	[dreg:$0x0] =	wrdreg $0x0  }
0xa8: {  	s5 =	sshll.u32 s28, $0x1;
	[dreg:$0x2] =	wrdreg s3  }
0xa9: {  	[dreg:$0x3] =	wrdreg s5  }
0xaa: {  	[dreg:$0x4] =	wrdreg $0xC0  }
0xab: {  	_ =	task [dreg:s7], $0x5FFFF  }
0xac: {  	[dreg:$0x1] =	wrdreg $0xFFFFFFFF  }
0xad: {  	[dreg:$0x0] =	wrdreg $0x60  }
0xae: {  	[dreg:$0x2] =	wrdreg s2  }
0xaf: {  	[dreg:$0x3] =	wrdreg s24  }
0xb0: {  	[dreg:$0x4] =	wrdreg $0x9  }
0xb1: {  	_ =	task.clear_ibuf [dreg:s7], $0x5FFFF;
	_ =	strace $0x90000049  }
0xb2: {  	s29 =	simm.s32 $0x9;
	_ =	strace $0x8000004B  }
0xb3: {  	_ =	swait.ge [sflag:s29], $0x1  }
0xb4: {  	[sflag:s29] =	ssyncadd.s32 $0xFFFFFFFF  }
0xb5: {  	_ =	strace $0x9000004B  }
0xb6: {  	_ =	sfence  }
0xb7: {  	s30 =	sld [smem:$0x0];
	_ =	sdelay $0x2  }
0xb8: {  	s31 =	sshll.u32 s1, $0xD;
	s1 =	sshrl.u32 s1, $0x2  }
0xb9: {  	s3 =	sand.u32 $0x4000, s31;
	s1 =	sadd.s32 s1, s30  }
0xba: {  	s0 =	sor.u32 s3, s0;
	s1 =	sshll.u32 s1, $0x11  }
0xbb: {  	s0 =	sor.u32 s1, s0  }
0xbc: {  	s0 =	sadd.s32 $0x8F2B, s0  }
0xbd: {  	[sflag:s0] =	ssyncadd.remote.s32 $0x1  }
0xbe: {  	_ =	sfence.sel $0xFFFF  }
0xbf: {  	[dreg:$0x0] =	wrdreg $0xFFFFFFFF;
	(pc) =	sbr.abs _section_cstart, $3  }
0xc0: {  	[dreg:$0x1] =	wrdreg $0xFFFFFFFF  }
0xc1: {  	_ =	task.clear_ibuf [dreg:s7], $0x2FFFF;
	_ =	strace $0x9FFFFFFF  }
0xc2: {  	(tm) =	ssettm $0x7FFFFFFF  }
0xc3: {  	_ =	shalt  }
tec
execute0_lowered:
.L_overlay_start_1:
0x0: {  	(tag) =	ssettag $0x1  }
0x1: {  	s2 =	rddreg [dreg:$0x0]  }
0x2: {  	s4 =	rddreg [dreg:$0x1]  }
0x3: {  	s0 =	rddreg [dreg:$0x2];
	s1 =	stileid.u32  }
0x4: {  	s5 =	srdreg.scid;
	s3 =	simm.s32 $0x0;
	s6 =	smul.u32 $0xC350, s1  }
0x5: {  	s10 =	simm.s32 $0x0;
	s5 =	sand.u32 $0x1, s5;
	s8 =	smul.u32 $0x186A0, s1  }
0x6: {  	[smem:$0x7FF] =	sst s3;
	s7 =	smul.u32 $0x61A8, s5;
	s9 =	ssub.s32 $0x2, s5  }
0x7: {  	_ =	strace $0x8000004A;
	s5 =	smul.u32 $0xC350, s5;
	s31 =	sshrl.u32 s9, $0x1  }
0x8: {  	s8 =	sadd.s32 s8, s4;
	s6 =	sadd.s32 s7, s6;
	s7 =	ssub.s32 s9, s31  }
0x9: {  	s5 =	sadd.s32 s5, s8;
	s8 =	simm.s32 $0x3E8;
	s6 =	sshrl.u32 s6, $0x3  }
0xa: {  	s9 =	simm.s32 $0x1;
	s5 =	sadd.s32 $0xE1400, s5;
	s6 =	sadd.s32 s6, s4  }
0xb: {  	s4 =	smax.u32 s7, $0x1;
	s7 =	simm.s32 $0x2;
	s6 =	sadd.s32 $0xC8800, s6  }
.LBB2_1:
0xc: {  	s11 =	sadd.s32 $0x0, s6  }
0xd: {  	[tilespmem:s3], [sflag:$0x2] =	stream.linear.gather [hbm4b:s11+s3], $0x3E8, $0x38;
	[tilespmem:$0x4268] =	vst v63  }
0xe: {  	_ =	swait.ge [sflag:s7], $0x3E8  }
0xf: {  	[sflag:s7] =	ssyncset.done $0x0  }
0x10: {  	[sflag:s7] =	ssyncadd.s32 $0xFFFFFC18  }
0x11: {  	[tilespmem:s8], [sflag:$0x1] =	stream.indirect.gather [hbm4b:s2+s8], $0x10, s3, s8, $0xb8;
	[tilespmem:$0x4268] =	vst v63  }
0x12: {  	_ =	swait.ge [sflag:s9], $0x3E80  }
0x13: {  	[sflag:s9] =	ssyncset.done $0x0  }
0x14: {  	[sflag:s9] =	ssyncadd.s32 $0xFFFFC180  }
0x15: {  	[hbm4b:s5+s3] =	stream.linear.scatter [tilespmem:s8], [sflag:$0x2], $0x3E80, $0x38;
	[tilespmem:$0x4268] =	vst v63  }
0x16: {  	s12 =	simm.s32 $0x7D;
	_ =	swait.ge [sflag:s7], $0x3E80  }
0x17: {  	s13 =	simm.s32 $0xFA;
	s11 =	sadd.s32 $0x7D0, s5;
	[sflag:s7] =	ssyncset.done $0x0  }
.LBB2_2:
0x18: {  	s14 =	sadd.s32 s12, s6  }
0x19: {  	[sflag:s7] =	ssyncadd.s32 $0xFFFFC180;
	s12 =	smov.u32 s13;
	s15 =	sadd.s32 $0x7D, s13  }
0x1a: {  	[tilespmem:s3], [sflag:$0x2] =	stream.linear.gather [hbm4b:s14+s3], $0x3E8, $0x38;
	[tilespmem:$0x4268] =	vst v63  }
0x1b: {  	p0 =	sne.s32 s13, $0xBB8;
	_ =	swait.ge [sflag:s7], $0x3E8  }
0x1c: {  	[sflag:s7] =	ssyncset.done $0x0  }
0x1d: {  	[sflag:s7] =	ssyncadd.s32 $0xFFFFFC18  }
0x1e: {  	[tilespmem:s8], [sflag:$0x1] =	stream.indirect.gather [hbm4b:s2+s8], $0x10, s3, s8, $0xb8;
	[tilespmem:$0x4268] =	vst v63  }
0x1f: {  	_ =	swait.ge [sflag:s9], $0x3E80  }
.Ltmp0:
0x20: {  	[sflag:s9] =	ssyncset.done $0x0;
	(pc) =	sbr.rel @p0 .LBB2_2-.Ltmp0, $4  }
0x21: {  	[sflag:s9] =	ssyncadd.s32 $0xFFFFC180  }
0x22: {  	[hbm4b:s11+s3] =	stream.linear.scatter [tilespmem:s8], [sflag:$0x2], $0x3E80, $0x38;
	[tilespmem:$0x4268] =	vst v63  }
0x23: {  	_ =	swait.ge [sflag:s7], $0x3E80  }
0x24: {  	s13 =	smov.u32 s15;
	s11 =	sadd.s32 $0x7D0, s11;
	[sflag:s7] =	ssyncset.done $0x0  }
0x25: {  	s12 =	sadd.s32 s12, s6;
	[sflag:s7] =	ssyncadd.s32 $0xFFFFC180  }
0x26: {  	[tilespmem:s3], [sflag:$0x2] =	stream.linear.gather [hbm4b:s12+s3], $0x3E8, $0x38;
	[tilespmem:$0x4268] =	vst v63  }
0x27: {  	_ =	swait.ge [sflag:s7], $0x3E8  }
0x28: {  	[sflag:s7] =	ssyncset.done $0x0  }
0x29: {  	[sflag:s7] =	ssyncadd.s32 $0xFFFFFC18  }
0x2a: {  	[tilespmem:s8], [sflag:$0x1] =	stream.indirect.gather [hbm4b:s2+s8], $0x10, s3, s8, $0xb8;
	[tilespmem:$0x4268] =	vst v63  }
0x2b: {  	s10 =	sadd.s32 $0x1, s10;
	_ =	swait.ge [sflag:s9], $0x3E80  }
0x2c: {  	p0 =	sne.s32 s10, s4;
	[sflag:s9] =	ssyncset.done $0x0  }
.Ltmp1:
0x2d: {  	[sflag:s9] =	ssyncadd.s32 $0xFFFFC180;
	(pc) =	sbr.rel @p0 .LBB2_1-.Ltmp1, $4  }
0x2e: {  	[hbm4b:s11+s3] =	stream.linear.scatter [tilespmem:s8], [sflag:$0x2], $0x3E80, $0x38;
	[tilespmem:$0x4268] =	vst v63  }
0x2f: {  	_ =	swait.ge [sflag:s7], $0x3E80  }
0x30: {  	[sflag:s7] =	ssyncset.done $0x0  }
0x31: {  	[sflag:s7] =	ssyncadd.s32 $0xFFFFC180  }
0x32: {  	_ =	sfence.sel $0x180000  }
0x33: {  	[bflag:$0x0] =	sbarrier.arrive $0xFFFF  }
0x34: {  	p0 =	sne.s32 s1, $0x0;
	_ =	strace $0x9000004A  }
0x35: {  	s0 =	sadd.s32 @!p0 $0x100000, s0;
	[bflag:$0x2] =	sbarrier.arrive $0xFFFF  }
0x36: {  	[sflag:s0] =	ssyncadd.tile.s32 @!p0 $0x1;
	_ =	shalt  }
.Lfunc_end2:
_tile_overlayer_lowered:
.L_overlay_start_2:
0x37: {  	(tag) =	ssettag $0x2  }
0x38: {  	s0 =	rddreg [dreg:$0x0];
	s2 =	stileid.u32  }
0x39: {  	s1 =	rddreg [dreg:$0x1];
	p0 =	sne.s32 s2, $0x0  }
0x3a: {  	s3 =	rddreg [dreg:$0x2];
	[bflag:$0x3] =	sbarrier.arrive $0xFFFF;
	s2 =	simm.s32 @!p0 $0x1C02  }
0x3b: {  	[timem:s3], [sflag:s2] =	dma.local @!p0 [hbm:s0], s1  }
0x3c: {  	s0 =	simm.s32 @!p0 $0x2  }
0x3d: {  	_ =	swait.ge @!p0 [sflag:s0], s1  }
0x3e: {  	s1 =	ssub.s32 @!p0 $0x0, s1;
	[sflag:s0] =	ssyncset.done @!p0 $0x0  }
0x3f: {  	[sflag:s0] =	ssyncadd.s32 @!p0 s1  }
0x40: {  	[bflag:$0x3] =	sbarrier.arrive $0xFFFF  }
0x41: {  	_ =	shalt  }

// kernel: kernel.8.cloned.1.call-start
scs
__scs_entry_jumppad:
0x0: {  	(pc) =	sbr.rel $0x88, $3  }
0x1: {  	(tag) =	ssettag $0x0;
	lr =	simm.s32 $0x1  }
0x2: {  	[smem:$0x3F8A] =	sst lr;
	_ =	strace $0xD0000000  }
0x3: {  	_ = 	snop  }
0x4: {  	_ = 	snop  }
0x5: {  	_ = 	snop  }
0x6: {  	_ = 	snop  }
0x7: {  	_ = 	snop  }
__scs_overlays_trampoline_lowered:
0x8: {  	[smem:$0x3F99] =	sst s0  }
0x9: {  	[smem:$0x3F9A] =	sst s1  }
0xa: {  	[smem:$0x3F9B] =	sst s2  }
0xb: {  	[smem:$0x3F9C] =	sst s3  }
0xc: {  	[smem:$0x3F9D] =	sst s4  }
0xd: {  	[smem:$0x3F9E] =	sst s5  }
0xe: {  	[smem:$0x3F9F] =	sst s6  }
0xf: {  	[smem:$0x3FA0] =	sst s7  }
0x10: {  	[smem:$0x3FA1] =	sst s8  }
0x11: {  	[smem:$0x3FA2] =	sst s9;
	s0 =	simm.s32 @!p0 $0x0  }
0x12: {  	s1 =	sld [smem:$0x3F88];
	s0 =	simm.s32 @p0 $0x1  }
0x13: {  	[smem:$0x3FA3] =	sst s0;
	s0 =	simm.s32 @!p1 $0x0  }
0x14: {  	s2 =	sld [smem:$0x3F87];
	s0 =	simm.s32 @p1 $0x1  }
0x15: {  	[smem:$0x3FA4] =	sst s0;
	s0 =	simm.s32 @!p2 $0x0  }
0x16: {  	s3 =	sld [smem:$0x3FDB];
	s0 =	simm.s32 @p2 $0x1  }
0x17: {  	s4 =	simm.s32 $0x1BF5;
	[smem:$0x3FA6] =	sst s0  }
0x18: {  	s0 =	sld [smem:$0x3F89];
	_ =	swait.ge [sflag:s4], $0x0  }
0x19: {  	s7 =	sld [smem:$0x3F8A]  }
0x1a: {  	s8 =	sadd.s32 $0xFFFFE003, lr  }
0x1b: {  	s9 =	sadd.s32 $0xFFFFFEF7, lr;
	s5 =	simm.s32 $0xFFFFFFFF;
	p2 =	slt.u32 s8, $0xFFFFF086  }
0x1c: {  	p1 =	slt.u32 s9, $0xF7A;
	s5 =	simm.s32 @!p2 $0x0  }
0x1d: {  	s5 =	simm.s32 @p1 $0x1;
	p0 =	seq.s32 s7, s2  }
0x1e: {  	s7 =	smul.u32 @!p0 $0xF7A, s2;
	p2 =	seq.s32 @!p0 s5, $0x0  }
0x1f: {  	s9 =	smul.u32 $0xF7A, s1;
	s8 =	simm.s32 @!p0 $0x1BF5;
	p2 =	por !p2, p0  }
0x20: {  	[sflag:s8] =	ssyncset.s32 @!p0 $0xFFFFF086;
	s6 =	sadd.s32 @!p0 s3, s7;
	s7 =	simm.s32 @!p0 $0x108  }
0x21: {  	s3 =	sadd.s32 s3, s9;
	s6 =	sadd.s32 @!p0 $0x88, s6;
	s7 =	simm.s32 @p2 $0x1082  }
0x22: {  	[simem:s7], [sflag:s8] =	dma.local @!p0 [hbm:s6], $0xF7A  }
0x23: {  	s9 =	sor.u32 $0xD0000000, s2;
	s6 =	simm.s32 $0x108;
	_ =	swait.ge @!p0 [sflag:s8], $0x0  }
0x24: {  	s3 =	sadd.s32 $0x88, s3;
	s6 =	simm.s32 @!p1 $0x1082;
	[sflag:s4] =	ssyncset.s32 $0xFFFFF086  }
0x25: {  	[simem:s6], [sflag:s4] =	dma.local [hbm:s3], $0xF7A  }
0x26: {  	[smem:$0x3F8A] =	sst s1;
	(tag) =	ssettag s2;
	_ =	strace s9  }
0x27: {  	s1 =	sld [smem:$0x3F9A]  }
0x28: {  	s2 =	sld [smem:$0x3F9B]  }
0x29: {  	s4 =	sld [smem:$0x3F9D]  }
0x2a: {  	p0 =	seq.s32 s5, $0x0;
	s5 =	sld [smem:$0x3F9E]  }
0x2b: {  	s6 =	sld [smem:$0x3F9F]  }
0x2c: {  	s7 =	sld [smem:$0x3FA0]  }
0x2d: {  	s3 =	simm.s32 $0x108;
	s8 =	sld [smem:$0x3FA1]  }
0x2e: {  	s3 =	simm.s32 @!p0 $0x1082;
	s9 =	sld [smem:$0x3FA2]  }
0x2f: {  	lr =	sadd.s32 s0, s3;
	s0 =	sld [smem:$0x3F99]  }
0x30: {  	s3 =	sld [smem:$0x3F9C]  }
0x31: {  	[smem:$0x3FA5] =	sst s10  }
0x32: {  	s10 =	sld [smem:$0x3FA3];
	_ =	sdelay $0x3  }
0x33: {  	p0 =	seq.s32 s10, $0x1;
	s10 =	sld [smem:$0x3FA5];
	_ =	sdelay $0x3  }
0x34: {  	[smem:$0x3FA5] =	sst s10  }
0x35: {  	s10 =	sld [smem:$0x3FA4];
	_ =	sdelay $0x3  }
0x36: {  	p1 =	seq.s32 s10, $0x1;
	s10 =	sld [smem:$0x3FA5];
	_ =	sdelay $0x3  }
0x37: {  	[smem:$0x3FA5] =	sst s10  }
0x38: {  	s10 =	sld [smem:$0x3FA6]  }
0x39: {  	_ = 	snop;
	(pc) =	sbr.ind lr, $3  }
0x3a: {  	_ = 	snop  }
0x3b: {  	_ = 	snop  }
0x3c: {  	p2 =	seq.s32 s10, $0x1;
	s10 =	sld [smem:$0x3FA5]  }
0x3d: {  	_ =	shalt  }
0x3e: {  	_ =	shalt  }
0x3f: {  	_ =	shalt  }
0x40: {  	_ =	shalt  }
0x41: {  	_ =	shalt  }
0x42: {  	_ =	shalt  }
0x43: {  	_ =	shalt  }
0x44: {  	_ =	shalt  }
0x45: {  	_ =	shalt  }
0x46: {  	_ =	shalt  }
0x47: {  	_ =	shalt  }
0x48: {  	_ =	shalt  }
0x49: {  	_ =	shalt  }
0x4a: {  	_ =	shalt  }
0x4b: {  	_ =	shalt  }
0x4c: {  	_ =	shalt  }
0x4d: {  	_ =	shalt  }
0x4e: {  	_ =	shalt  }
0x4f: {  	_ =	shalt  }
0x50: {  	_ =	shalt  }
0x51: {  	_ =	shalt  }
0x52: {  	_ =	shalt  }
0x53: {  	_ =	shalt  }
0x54: {  	_ =	shalt  }
0x55: {  	_ =	shalt  }
0x56: {  	_ =	shalt  }
0x57: {  	_ =	shalt  }
0x58: {  	_ =	shalt  }
0x59: {  	_ =	shalt  }
0x5a: {  	_ =	shalt  }
0x5b: {  	_ =	shalt  }
0x5c: {  	_ =	shalt  }
0x5d: {  	_ =	shalt  }
0x5e: {  	_ =	shalt  }
0x5f: {  	_ =	shalt  }
0x60: {  	_ =	shalt  }
0x61: {  	_ =	shalt  }
0x62: {  	_ =	shalt  }
0x63: {  	_ =	shalt  }
0x64: {  	_ =	shalt  }
0x65: {  	_ =	shalt  }
0x66: {  	_ =	shalt  }
0x67: {  	_ =	shalt  }
0x68: {  	_ =	shalt  }
0x69: {  	_ =	shalt  }
0x6a: {  	_ =	shalt  }
0x6b: {  	_ =	shalt  }
0x6c: {  	_ =	shalt  }
0x6d: {  	_ =	shalt  }
0x6e: {  	_ =	shalt  }
0x6f: {  	_ =	shalt  }
0x70: {  	_ =	shalt  }
0x71: {  	_ =	shalt  }
0x72: {  	_ =	shalt  }
0x73: {  	_ =	shalt  }
0x74: {  	_ =	shalt  }
0x75: {  	_ =	shalt  }
0x76: {  	_ =	shalt  }
0x77: {  	_ =	shalt  }
0x78: {  	_ =	shalt  }
0x79: {  	_ =	shalt  }
0x7a: {  	_ =	shalt  }
0x7b: {  	_ =	shalt  }
0x7c: {  	_ =	shalt  }
0x7d: {  	_ =	shalt  }
0x7e: {  	_ =	shalt  }
0x7f: {  	_ =	shalt  }
0x80: {  	_ =	shalt  }
0x81: {  	_ =	shalt  }
0x82: {  	_ =	shalt  }
0x83: {  	_ =	shalt  }
0x84: {  	_ =	shalt  }
0x85: {  	_ =	shalt  }
0x86: {  	_ =	shalt  }
0x87: {  	_ =	shalt  }
.Lfunc_end0:
.L_simem_size_0:
called_computation_lowered:
.L_overlay_start_0:
0x88: {  	s2 =	sld [smem:$0x3FD9]  }
0x89: {  	s3 =	sld [smem:$0x3FFE];
	_ =	sdelay $0x1  }
0x8a: {  	s1 =	srdreg.scid  }
0x8b: {  	s0 =	sand.u32 $0x1, s1  }
0x8c: {  	s17 =	sshll.u32 s0, $0xA;
	s2 =	sadd.s32 s3, s2  }
0x8d: {  	s2 =	sadd.s32 s2, s17  }
0x8e: {  	[smem:$0x3FB1] =	sst s2  }
0x8f: {  	_ = 	snop  }
0x90: {  	s2 =	sld [smem:$0x3FD0];
	(tm) =	ssettm $0x1  }
0x91: {  	s18 =	sld [smem:$0x3FFB];
	_ =	sdelay $0x3  }
0x92: {  	_ =	strace s18  }
0x93: {  	s3 =	sld [smem:$0x3FFC];
	_ =	sdelay $0x3  }
0x94: {  	_ =	strace s3  }
0x95: {  	s3 =	sld [smem:$0x3FFD];
	_ =	sdelay $0x3  }
0x96: {  	_ =	strace s3  }
0x97: {  	_ =	strace $0x8FFFFFFF  }
0x98: {  	s19 =	sld [smem:$0x3FDB];
	_ =	sdelay $0x1  }
0x99: {  	s4 =	simm.s32 $_scs_section_size  }
0x9a: {  	s5 =	simm.s32 $_size__tile_overlayer_lowered;
	s6 =	simm.s32 $_tile_overlayer_lowered  }
0x9b: {  	s22 =	simm.s32 $0x1BFF;
	s21 =	sshll.u32 s6, $0x1;
	s3 =	sadd.s32 s4, s19  }
0x9c: {  	s7 =	simm.s32 $0x0;
	s20 =	sshll.u32 s5, $0x1;
	s5 =	sadd.s32 s21, s3  }
0x9d: {  	[timem:s7], [sflag:s22] =	dma.local [hbm:s5], s20  }
0x9e: {  	_ =	swait.ge [sflag:s22], s20  }
0x9f: {  	s4 =	ssub.s32 $0x0, s20;
	[sflag:s22] =	ssyncset.done $0x0  }
0xa0: {  	[sflag:s22] =	ssyncadd.s32 s4;
	_ =	sdelay $0x1  }
0xa1: {  	s23 =	simm.s32 $0x1B8B  }
0xa2: {  	_ =	swait.ge [sflag:s23], $0x1  }
0xa3: {  	[sflag:s23] =	ssyncset.done $0x0  }
0xa4: {  	s25 =	simm.s32 $0x1B8E;
	s24 =	sld [smem:$0x3FFE];
	[sflag:s23] =	ssyncadd.s32 $0xFFFFFFFF  }
0xa5: {  	s26 =	simm.s32 $execute0_lowered;
	[smem:$0x3FD2] =	sst s25  }
0xa6: {  	s5 =	sshll.u32 s26, $0x1;
	_ =	strace $0x80000046;
	[dreg:$0x1] =	wrdreg $0xFFFFFFFF  }
0xa7: {  	s28 =	simm.s32 $_size_execute0_lowered;
	s3 =	sadd.s32 s3, s5;
	[dreg:$0x0] =	wrdreg $0x0  }
0xa8: {  	s5 =	sshll.u32 s28, $0x1;
	[dreg:$0x2] =	wrdreg s3  }
0xa9: {  	[dreg:$0x3] =	wrdreg s5  }
0xaa: {  	[dreg:$0x4] =	wrdreg $0xC0  }
0xab: {  	_ =	task [dreg:s7], $0x5FFFF  }
0xac: {  	[dreg:$0x1] =	wrdreg $0xFFFFFFFF  }
0xad: {  	[dreg:$0x0] =	wrdreg $0x60  }
0xae: {  	[dreg:$0x2] =	wrdreg s2  }
0xaf: {  	[dreg:$0x3] =	wrdreg s24  }
0xb0: {  	[dreg:$0x4] =	wrdreg $0x9  }
0xb1: {  	_ =	task.clear_ibuf [dreg:s7], $0x5FFFF;
	_ =	strace $0x90000046  }
0xb2: {  	s29 =	simm.s32 $0x9;
	_ =	strace $0x80000048  }
0xb3: {  	_ =	swait.ge [sflag:s29], $0x1  }
0xb4: {  	[sflag:s29] =	ssyncadd.s32 $0xFFFFFFFF  }
0xb5: {  	_ =	strace $0x90000048  }
0xb6: {  	_ =	sfence  }
0xb7: {  	s30 =	sld [smem:$0x0];
	_ =	sdelay $0x2  }
0xb8: {  	s31 =	sshll.u32 s1, $0xD;
	s1 =	sshrl.u32 s1, $0x2  }
0xb9: {  	s3 =	sand.u32 $0x4000, s31;
	s1 =	sadd.s32 s1, s30  }
0xba: {  	s0 =	sor.u32 s3, s0;
	s1 =	sshll.u32 s1, $0x11  }
0xbb: {  	s0 =	sor.u32 s1, s0  }
0xbc: {  	s0 =	sadd.s32 $0x8F2B, s0  }
0xbd: {  	[sflag:s0] =	ssyncadd.remote.s32 $0x1  }
0xbe: {  	_ =	sfence.sel $0xFFFF  }
0xbf: {  	[dreg:$0x0] =	wrdreg $0xFFFFFFFF;
	(pc) =	sbr.abs _section_cstart, $3  }
0xc0: {  	[dreg:$0x1] =	wrdreg $0xFFFFFFFF  }
0xc1: {  	_ =	task.clear_ibuf [dreg:s7], $0x2FFFF;
	_ =	strace $0x9FFFFFFF  }
0xc2: {  	(tm) =	ssettm $0x7FFFFFFF  }
0xc3: {  	_ =	shalt  }
tec
execute0_lowered:
.L_overlay_start_1:
0x0: {  	(tag) =	ssettag $0x1  }
0x1: {  	s2 =	rddreg [dreg:$0x0]  }
0x2: {  	s4 =	rddreg [dreg:$0x1]  }
0x3: {  	s0 =	rddreg [dreg:$0x2];
	s1 =	stileid.u32  }
0x4: {  	s5 =	srdreg.scid;
	s3 =	simm.s32 $0x0;
	s6 =	smul.u32 $0xC350, s1  }
0x5: {  	s10 =	simm.s32 $0x0;
	s5 =	sand.u32 $0x1, s5;
	s8 =	smul.u32 $0x30D40, s1  }
0x6: {  	[smem:$0x7FF] =	sst s3;
	s7 =	smul.u32 $0x61A8, s5;
	s9 =	ssub.s32 $0x2, s5  }
0x7: {  	_ =	strace $0x80000047;
	s5 =	smul.u32 $0x186A0, s5;
	s31 =	sshrl.u32 s9, $0x1  }
0x8: {  	s8 =	sadd.s32 s8, s4;
	s6 =	sadd.s32 s7, s6;
	s7 =	ssub.s32 s9, s31  }
0x9: {  	s5 =	sadd.s32 s5, s8;
	s8 =	simm.s32 $0x3E8;
	s6 =	sshrl.u32 s6, $0x3  }
0xa: {  	s9 =	simm.s32 $0x1;
	s5 =	sadd.s32 $0xE1000, s5;
	s6 =	sadd.s32 s6, s4  }
0xb: {  	s4 =	smax.u32 s7, $0x1;
	s7 =	simm.s32 $0x2;
	s6 =	sadd.s32 $0xC8800, s6  }
.LBB2_1:
0xc: {  	s11 =	sadd.s32 $0x0, s6  }
0xd: {  	[tilespmem:s3], [sflag:$0x2] =	stream.linear.gather [hbm4b:s11+s3], $0x3E8, $0x38;
	[tilespmem:$0x80E8] =	vst v63  }
0xe: {  	_ =	swait.ge [sflag:s7], $0x3E8  }
0xf: {  	[sflag:s7] =	ssyncset.done $0x0  }
0x10: {  	[sflag:s7] =	ssyncadd.s32 $0xFFFFFC18  }
0x11: {  	[tilespmem:s8], [sflag:$0x1] =	stream.indirect.gather [hbm4b:s2+s8], $0x20, s3, s8, $0xb8;
	[tilespmem:$0x80E8] =	vst v63  }
0x12: {  	_ =	swait.ge [sflag:s9], $0x7D00  }
0x13: {  	[sflag:s9] =	ssyncset.done $0x0  }
0x14: {  	[sflag:s9] =	ssyncadd.s32 $0xFFFF8300  }
0x15: {  	[hbm4b:s5+s3] =	stream.linear.scatter [tilespmem:s8], [sflag:$0x2], $0x7D00, $0x38;
	[tilespmem:$0x80E8] =	vst v63  }
0x16: {  	s12 =	simm.s32 $0x7D;
	_ =	swait.ge [sflag:s7], $0x7D00  }
0x17: {  	s13 =	simm.s32 $0xFA;
	s11 =	sadd.s32 $0xFA0, s5;
	[sflag:s7] =	ssyncset.done $0x0  }
.LBB2_2:
0x18: {  	s14 =	sadd.s32 s12, s6  }
0x19: {  	[sflag:s7] =	ssyncadd.s32 $0xFFFF8300;
	s12 =	smov.u32 s13;
	s15 =	sadd.s32 $0x7D, s13  }
0x1a: {  	[tilespmem:s3], [sflag:$0x2] =	stream.linear.gather [hbm4b:s14+s3], $0x3E8, $0x38;
	[tilespmem:$0x80E8] =	vst v63  }
0x1b: {  	p0 =	sne.s32 s13, $0xBB8;
	_ =	swait.ge [sflag:s7], $0x3E8  }
0x1c: {  	[sflag:s7] =	ssyncset.done $0x0  }
0x1d: {  	[sflag:s7] =	ssyncadd.s32 $0xFFFFFC18  }
0x1e: {  	[tilespmem:s8], [sflag:$0x1] =	stream.indirect.gather [hbm4b:s2+s8], $0x20, s3, s8, $0xb8;
	[tilespmem:$0x80E8] =	vst v63  }
0x1f: {  	_ =	swait.ge [sflag:s9], $0x7D00  }
.Ltmp0:
0x20: {  	[sflag:s9] =	ssyncset.done $0x0;
	(pc) =	sbr.rel @p0 .LBB2_2-.Ltmp0, $4  }
0x21: {  	[sflag:s9] =	ssyncadd.s32 $0xFFFF8300  }
0x22: {  	[hbm4b:s11+s3] =	stream.linear.scatter [tilespmem:s8], [sflag:$0x2], $0x7D00, $0x38;
	[tilespmem:$0x80E8] =	vst v63  }
0x23: {  	_ =	swait.ge [sflag:s7], $0x7D00  }
0x24: {  	s13 =	smov.u32 s15;
	s11 =	sadd.s32 $0xFA0, s11;
	[sflag:s7] =	ssyncset.done $0x0  }
0x25: {  	s12 =	sadd.s32 s12, s6;
	[sflag:s7] =	ssyncadd.s32 $0xFFFF8300  }
0x26: {  	[tilespmem:s3], [sflag:$0x2] =	stream.linear.gather [hbm4b:s12+s3], $0x3E8, $0x38;
	[tilespmem:$0x80E8] =	vst v63  }
0x27: {  	_ =	swait.ge [sflag:s7], $0x3E8  }
0x28: {  	[sflag:s7] =	ssyncset.done $0x0  }
0x29: {  	[sflag:s7] =	ssyncadd.s32 $0xFFFFFC18  }
0x2a: {  	[tilespmem:s8], [sflag:$0x1] =	stream.indirect.gather [hbm4b:s2+s8], $0x20, s3, s8, $0xb8;
	[tilespmem:$0x80E8] =	vst v63  }
0x2b: {  	s10 =	sadd.s32 $0x1, s10;
	_ =	swait.ge [sflag:s9], $0x7D00  }
0x2c: {  	p0 =	sne.s32 s10, s4;
	[sflag:s9] =	ssyncset.done $0x0  }
.Ltmp1:
0x2d: {  	[sflag:s9] =	ssyncadd.s32 $0xFFFF8300;
	(pc) =	sbr.rel @p0 .LBB2_1-.Ltmp1, $4  }
0x2e: {  	[hbm4b:s11+s3] =	stream.linear.scatter [tilespmem:s8], [sflag:$0x2], $0x7D00, $0x38;
	[tilespmem:$0x80E8] =	vst v63  }
0x2f: {  	_ =	swait.ge [sflag:s7], $0x7D00  }
0x30: {  	[sflag:s7] =	ssyncset.done $0x0  }
0x31: {  	[sflag:s7] =	ssyncadd.s32 $0xFFFF8300  }
0x32: {  	_ =	sfence.sel $0x180000  }
0x33: {  	[bflag:$0x0] =	sbarrier.arrive $0xFFFF  }
0x34: {  	p0 =	sne.s32 s1, $0x0;
	_ =	strace $0x90000047  }
0x35: {  	s0 =	sadd.s32 @!p0 $0x100000, s0;
	[bflag:$0x2] =	sbarrier.arrive $0xFFFF  }
0x36: {  	[sflag:s0] =	ssyncadd.tile.s32 @!p0 $0x1;
	_ =	shalt  }
.Lfunc_end2:
_tile_overlayer_lowered:
.L_overlay_start_2:
0x37: {  	(tag) =	ssettag $0x2  }
0x38: {  	s0 =	rddreg [dreg:$0x0];
	s2 =	stileid.u32  }
0x39: {  	s1 =	rddreg [dreg:$0x1];
	p0 =	sne.s32 s2, $0x0  }
0x3a: {  	s3 =	rddreg [dreg:$0x2];
	[bflag:$0x3] =	sbarrier.arrive $0xFFFF;
	s2 =	simm.s32 @!p0 $0x1C02  }
0x3b: {  	[timem:s3], [sflag:s2] =	dma.local @!p0 [hbm:s0], s1  }
0x3c: {  	s0 =	simm.s32 @!p0 $0x2  }
0x3d: {  	_ =	swait.ge @!p0 [sflag:s0], s1  }
0x3e: {  	s1 =	ssub.s32 @!p0 $0x0, s1;
	[sflag:s0] =	ssyncset.done @!p0 $0x0  }
0x3f: {  	[sflag:s0] =	ssyncadd.s32 @!p0 s1  }
0x40: {  	[bflag:$0x3] =	sbarrier.arrive $0xFFFF  }
0x41: {  	_ =	shalt  }

</sc_bundles>
